<compile_context>
chip_gen: v7x
topology: tpu7x:2x2x1
jax: 0.10.2.dev20260603
libtpu: 0.0.44.dev20260713+nightly
codegen_flags: <defaults>
</compile_context>

<pallas_src>
import functools

import jax
import jax.numpy as jnp
from jax import lax
from jax.experimental import pallas as pl
from jax.experimental.pallas import tpu as pltpu
from jax.experimental.pallas import tpu_sc as plsc

N_NODES = 10000
D = 128
DH = D // 2

NC = 2
NS = 16
CHUNK = 128
NBUF = 6

N_PAD = 10112
ZROWS = N_PAD // NS


def _make_agg(n_chunks):
    mesh = plsc.VectorSubcoreMesh(core_axis_name="c", subcore_axis_name="s")

    @functools.partial(
        pl.kernel,
        out_type=jax.ShapeDtypeStruct((NC, N_PAD, DH), jnp.float32),
        mesh=mesh,
        compiler_params=pltpu.CompilerParams(use_tc_tiling_on_sc=False),
        scratch_types=[
            pltpu.VMEM((n_chunks, CHUNK), jnp.int32),
            pltpu.VMEM((n_chunks, CHUNK), jnp.int32),
            [pltpu.VMEM((CHUNK, DH), jnp.float32) for _ in range(NBUF)],
            pltpu.VMEM_SHARED((N_PAD, DH), jnp.float32),
            [pltpu.SemaphoreType.DMA for _ in range(NBUF)],
            [pltpu.SemaphoreType.DMA for _ in range(NBUF)],
        ],
    )
    def agg(src_hbm, dst_hbm, feat_hbm, zeros_hbm, out_hbm,
            src_v, dst_v, rows, acc, gsem, ssem):
        cid = lax.axis_index("c")
        sid = lax.axis_index("s")

        pltpu.sync_copy(zeros_hbm, acc.at[pl.ds(sid * ZROWS, ZROWS)])
        pltpu.sync_copy(src_hbm.at[cid, sid], src_v)
        pltpu.sync_copy(dst_hbm.at[sid], dst_v)
        plsc.subcore_barrier()

        n_iter = n_chunks // NBUF

        for k in range(NBUF):
            pltpu.async_copy(feat_hbm.at[src_v.at[k]], rows[k], gsem[k])

        def body(i, _):
            base = NBUF * i
            for k in range(NBUF):
                pltpu.make_async_copy(
                    feat_hbm.at[src_v.at[base + k]], rows[k], gsem[k]).wait()
                pltpu.async_copy(
                    rows[k], acc.at[dst_v.at[base + k]], ssem[k], add=True)
            for k in range(NBUF):
                pltpu.make_async_copy(
                    rows[k], acc.at[dst_v.at[base + k]], ssem[k]).wait()

                @pl.when(i + 1 < n_iter)
                def _():
                    pltpu.async_copy(
                        feat_hbm.at[src_v.at[base + NBUF + k]], rows[k],
                        gsem[k])
            return 0

        lax.fori_loop(0, n_iter, body, 0)
        plsc.subcore_barrier()

        pltpu.sync_copy(
            acc.at[pl.ds(sid * ZROWS, ZROWS)],
            out_hbm.at[cid, pl.ds(sid * ZROWS, ZROWS)],
        )

    return agg


def _dense_body(acc_ref, feat_ref, wn_ref, ws_ref, b_ref, out_ref):
    out_ref[...] = (
        jnp.dot(acc_ref[0], wn_ref[0:DH, :], preferred_element_type=jnp.float32)
        + jnp.dot(acc_ref[1], wn_ref[DH:D, :], preferred_element_type=jnp.float32)
        + jnp.dot(feat_ref[...], ws_ref[...], preferred_element_type=jnp.float32)
        + b_ref[...]
    )


def _make_dense(blk, n_blk):
    return pl.pallas_call(
        _dense_body,
        grid=(n_blk,),
        in_specs=[
            pl.BlockSpec((NC, blk, DH), lambda i: (0, i, 0)),
            pl.BlockSpec((blk, D), lambda i: (i, 0)),
            pl.BlockSpec((D, D), lambda i: (0, 0)),
            pl.BlockSpec((D, D), lambda i: (0, 0)),
            pl.BlockSpec((1, D), lambda i: (0, 0)),
        ],
        out_specs=pl.BlockSpec((blk, D), lambda i: (i, 0)),
        out_shape=jax.ShapeDtypeStruct((N_NODES, D), jnp.float32),
    )


def kernel(feat, edge_index, W_neigh, b_neigh, W_self):
    src = edge_index[0].astype(jnp.int32)
    dst = edge_index[1].astype(jnp.int32)
    n_edges = src.shape[0]

    per_tile = -(-n_edges // NS)
    n_chunks = -(-per_tile // (CHUNK * NBUF)) * NBUF
    e_pad = NS * n_chunks * CHUNK

    pad = e_pad - n_edges
    pad_idx = jnp.arange(pad, dtype=jnp.int32)
    src_p = jnp.concatenate([src, pad_idx % N_NODES])
    src_all = jnp.stack([2 * src_p, 2 * src_p + 1]).reshape(
        NC, NS, n_chunks, CHUNK)
    dst_p = jnp.concatenate(
        [dst, N_NODES + (pad_idx & 63)]
    ).reshape(NS, n_chunks, CHUNK)

    feat_half = feat.reshape(NC * N_NODES, DH)
    zeros = jnp.zeros((ZROWS, DH), jnp.float32)
    acc = _make_agg(n_chunks)(src_all, dst_p, feat_half, zeros)

    blk = 1000
    n_blk = N_NODES // blk
    return _make_dense(blk, n_blk)(acc, feat, W_neigh, W_self,
                                   b_neigh.reshape(1, D))

# --- scband reference (transcript-rebuilt; emitter-appended) ---
"""Pipeline reference for scband-graph-conv-wl-16793322127387 (READ-ONLY COPY).

The authoritative reference and input builder live on the scoring server;
editing this copy changes nothing except your own understanding.
"""

import jax, jax.numpy as jnp
import numpy as np

N_NODES = 10000
N_EDGES = 320000
D_IN = 128
D_OUT = 128

def setup_inputs(seed: int = 0) -> dict:
    key = jax.random.key(seed)
    k1, k2, k3, k4, k5 = jax.random.split(key, 5)
    feat = jax.random.normal(k1, (N_NODES, D_IN), dtype=jnp.float32)
    edge_index = jax.random.randint(k2, (2, N_EDGES), 0, N_NODES, dtype=jnp.int64)
    # GraphConv (neighbor) weight + bias, Glorot-style init
    scale_n = 1.0 / np.sqrt(D_IN)
    W_neigh = jax.random.uniform(k3, (D_IN, D_OUT), dtype=jnp.float32, minval=-scale_n, maxval=scale_n)
    b_neigh = jnp.zeros((D_OUT,), dtype=jnp.float32)
    # Linear self-loop weight (no bias)
    W_self = jax.random.uniform(k4, (D_IN, D_OUT), dtype=jnp.float32, minval=-scale_n, maxval=scale_n)
    return {"feat": feat, "edge_index": edge_index, "W_neigh": W_neigh, "b_neigh": b_neigh, "W_self": W_self}

def reference(feat, edge_index, W_neigh, b_neigh, W_self):
    # DGL GraphConv with norm='none': sum aggregation of source features to dst,
    # then linear transform + bias (aggregate-then-matmul, mathematically equal
    # to matmul-then-aggregate since in_feats == out_feats).
    src = edge_index[0]
    dst = edge_index[1]
    messages = jnp.take(feat, src, axis=0)  # gather [E, D_IN]
    agg = jax.ops.segment_sum(messages, dst, num_segments=N_NODES)  # scatter-add [N, D_IN]
    neigh_feat = agg @ W_neigh + b_neigh
    self_feat = feat @ W_self
    return neigh_feat + self_feat

if __name__ == "__main__":
    import jax
    _d = setup_inputs()
    print(jax.jit(kernel)(*tuple(_d.values())))

</pallas_src>

<mosaic_0001>
#map = affine_map<(d0, d1) -> (0, 0, 0, 0)>
#map1 = affine_map<(d0, d1) -> (0, 0, 0)>
#map2 = affine_map<(d0, d1) -> (0, 0)>
module attributes {stable_mosaic.version = 14 : i64} {
  func.func @agg(%arg0: i32, %arg1: i32, %arg2: memref<2x16x162x128xi32, #tpu.memory_space<hbm>>, %arg3: memref<16x162x128xi32, #tpu.memory_space<hbm>>, %arg4: memref<20000x64xf32, #tpu.memory_space<hbm>>, %arg5: memref<632x64xf32, #tpu.memory_space<hbm>>, %arg6: memref<2x10112x64xf32, #tpu.memory_space<hbm>>, %arg7: memref<162x128xi32, #tpu.memory_space<vmem>>, %arg8: memref<162x128xi32, #tpu.memory_space<vmem>>, %arg9: memref<128x64xf32, #tpu.memory_space<vmem>>, %arg10: memref<128x64xf32, #tpu.memory_space<vmem>>, %arg11: memref<128x64xf32, #tpu.memory_space<vmem>>, %arg12: memref<128x64xf32, #tpu.memory_space<vmem>>, %arg13: memref<128x64xf32, #tpu.memory_space<vmem>>, %arg14: memref<128x64xf32, #tpu.memory_space<vmem>>, %arg15: memref<10112x64xf32, #tpu.memory_space<vmem_shared>>, %arg16: memref<!tpu.dma_semaphore, #tpu.memory_space<semaphore_mem>>, %arg17: memref<!tpu.dma_semaphore, #tpu.memory_space<semaphore_mem>>, %arg18: memref<!tpu.dma_semaphore, #tpu.memory_space<semaphore_mem>>, %arg19: memref<!tpu.dma_semaphore, #tpu.memory_space<semaphore_mem>>, %arg20: memref<!tpu.dma_semaphore, #tpu.memory_space<semaphore_mem>>, %arg21: memref<!tpu.dma_semaphore, #tpu.memory_space<semaphore_mem>>, %arg22: memref<!tpu.dma_semaphore, #tpu.memory_space<semaphore_mem>>, %arg23: memref<!tpu.dma_semaphore, #tpu.memory_space<semaphore_mem>>, %arg24: memref<!tpu.dma_semaphore, #tpu.memory_space<semaphore_mem>>, %arg25: memref<!tpu.dma_semaphore, #tpu.memory_space<semaphore_mem>>, %arg26: memref<!tpu.dma_semaphore, #tpu.memory_space<semaphore_mem>>, %arg27: memref<!tpu.dma_semaphore, #tpu.memory_space<semaphore_mem>>) attributes {dimension_semantics = [#tpu.dimension_semantics<core_parallel>, #tpu.dimension_semantics<subcore_parallel>], iteration_bounds = array<i64: 2, 16>, scalar_prefetch = 0 : i64, scratch_operands = 21 : i64, tpu.core_type = #tpu.core_type<sc_vector_subcore>, window_params = [{transform_indices = #map}, {transform_indices = #map1}, {transform_indices = #map2}, {transform_indices = #map2}, {transform_indices = #map1}]} {
    %mul3A = arith.constant 632 : i32
    %mul3A_0 = arith.muli %arg1, %mul3A : i32
    "tpu.region"() ({
      %run_scoped3A = tpu.sem_alloc : memref<!tpu.dma_semaphore, #tpu.memory_space<semaphore_mem>>
      %dma_start3A_53 = arith.constant 0 : i32
      %dma_start3A_54 = tpu.memref_slice %arg15[%mul3A_0, %dma_start3A_53] : memref<10112x64xf32, #tpu.memory_space<vmem_shared>> -> memref<632x64xf32, #tpu.memory_space<vmem_shared>>
      tpu.enqueue_dma source(%arg5 : memref<632x64xf32, #tpu.memory_space<hbm>>) target(%dma_start3A_54 : memref<632x64xf32, #tpu.memory_space<vmem_shared>>) target_semaphore(%run_scoped3A : memref<!tpu.dma_semaphore, #tpu.memory_space<semaphore_mem>>)
      %dma_wait3A = arith.constant 0 : i32
      %dma_wait3A_55 = tpu.memref_slice %arg15[%mul3A_0, %dma_wait3A] : memref<10112x64xf32, #tpu.memory_space<vmem_shared>> -> memref<632x64xf32, #tpu.memory_space<vmem_shared>>
      tpu.wait_dma2 semaphore(%run_scoped3A : memref<!tpu.dma_semaphore, #tpu.memory_space<semaphore_mem>>) src(%arg5 : memref<632x64xf32, #tpu.memory_space<hbm>>) dst(%dma_wait3A_55 : memref<632x64xf32, #tpu.memory_space<vmem_shared>>)
      tpu.yield
    }) : () -> ()
    "tpu.region"() ({
      %run_scoped3A = tpu.sem_alloc : memref<!tpu.dma_semaphore, #tpu.memory_space<semaphore_mem>>
      %dma_start3A_53 = arith.constant 0 : i32
      %dma_start3A_54 = arith.constant 0 : i32
      %dma_start3A_55 = tpu.memref_slice %arg2[%arg0, %arg1, %dma_start3A_53, %dma_start3A_54] : memref<2x16x162x128xi32, #tpu.memory_space<hbm>> -> memref<1x1x162x128xi32, #tpu.memory_space<hbm>>
      %dma_start3A_56 = tpu.memref_squeeze %dma_start3A_55 : memref<1x1x162x128xi32, #tpu.memory_space<hbm>> -> memref<162x128xi32, #tpu.memory_space<hbm>>
      %dma_start3A_57 = arith.constant 0 : i32
      %dma_start3A_58 = arith.constant 0 : i32
      %dma_start3A_59 = tpu.memref_slice %arg2[%arg0, %arg1, %dma_start3A_57, %dma_start3A_58] : memref<2x16x162x128xi32, #tpu.memory_space<hbm>> -> memref<1x1x162x128xi32, #tpu.memory_space<hbm>>
      %dma_start3A_60 = tpu.memref_squeeze %dma_start3A_59 : memref<1x1x162x128xi32, #tpu.memory_space<hbm>> -> memref<162x128xi32, #tpu.memory_space<hbm>>
      tpu.enqueue_dma source(%dma_start3A_60 : memref<162x128xi32, #tpu.memory_space<hbm>>) target(%arg7 : memref<162x128xi32, #tpu.memory_space<vmem>>) target_semaphore(%run_scoped3A : memref<!tpu.dma_semaphore, #tpu.memory_space<semaphore_mem>>)
      %dma_wait3A = arith.constant 0 : i32
      %dma_wait3A_61 = arith.constant 0 : i32
      %dma_wait3A_62 = tpu.memref_slice %arg2[%arg0, %arg1, %dma_wait3A, %dma_wait3A_61] : memref<2x16x162x128xi32, #tpu.memory_space<hbm>> -> memref<1x1x162x128xi32, #tpu.memory_space<hbm>>
      %dma_wait3A_63 = tpu.memref_squeeze %dma_wait3A_62 : memref<1x1x162x128xi32, #tpu.memory_space<hbm>> -> memref<162x128xi32, #tpu.memory_space<hbm>>
      %dma_wait3A_64 = arith.constant 0 : i32
      %dma_wait3A_65 = arith.constant 0 : i32
      %dma_wait3A_66 = tpu.memref_slice %arg2[%arg0, %arg1, %dma_wait3A_64, %dma_wait3A_65] : memref<2x16x162x128xi32, #tpu.memory_space<hbm>> -> memref<1x1x162x128xi32, #tpu.memory_space<hbm>>
      %dma_wait3A_67 = tpu.memref_squeeze %dma_wait3A_66 : memref<1x1x162x128xi32, #tpu.memory_space<hbm>> -> memref<162x128xi32, #tpu.memory_space<hbm>>
      tpu.wait_dma2 semaphore(%run_scoped3A : memref<!tpu.dma_semaphore, #tpu.memory_space<semaphore_mem>>) src(%dma_wait3A_67 : memref<162x128xi32, #tpu.memory_space<hbm>>) dst(%arg7 : memref<162x128xi32, #tpu.memory_space<vmem>>)
      tpu.yield
    }) : () -> ()
    "tpu.region"() ({
      %run_scoped3A = tpu.sem_alloc : memref<!tpu.dma_semaphore, #tpu.memory_space<semaphore_mem>>
      %dma_start3A_53 = arith.constant 0 : i32
      %dma_start3A_54 = arith.constant 0 : i32
      %dma_start3A_55 = tpu.memref_slice %arg3[%arg1, %dma_start3A_53, %dma_start3A_54] : memref<16x162x128xi32, #tpu.memory_space<hbm>> -> memref<1x162x128xi32, #tpu.memory_space<hbm>>
      %dma_start3A_56 = tpu.memref_squeeze %dma_start3A_55 : memref<1x162x128xi32, #tpu.memory_space<hbm>> -> memref<162x128xi32, #tpu.memory_space<hbm>>
      %dma_start3A_57 = arith.constant 0 : i32
      %dma_start3A_58 = arith.constant 0 : i32
      %dma_start3A_59 = tpu.memref_slice %arg3[%arg1, %dma_start3A_57, %dma_start3A_58] : memref<16x162x128xi32, #tpu.memory_space<hbm>> -> memref<1x162x128xi32, #tpu.memory_space<hbm>>
      %dma_start3A_60 = tpu.memref_squeeze %dma_start3A_59 : memref<1x162x128xi32, #tpu.memory_space<hbm>> -> memref<162x128xi32, #tpu.memory_space<hbm>>
      tpu.enqueue_dma source(%dma_start3A_60 : memref<162x128xi32, #tpu.memory_space<hbm>>) target(%arg8 : memref<162x128xi32, #tpu.memory_space<vmem>>) target_semaphore(%run_scoped3A : memref<!tpu.dma_semaphore, #tpu.memory_space<semaphore_mem>>)
      %dma_wait3A = arith.constant 0 : i32
      %dma_wait3A_61 = arith.constant 0 : i32
      %dma_wait3A_62 = tpu.memref_slice %arg3[%arg1, %dma_wait3A, %dma_wait3A_61] : memref<16x162x128xi32, #tpu.memory_space<hbm>> -> memref<1x162x128xi32, #tpu.memory_space<hbm>>
      %dma_wait3A_63 = tpu.memref_squeeze %dma_wait3A_62 : memref<1x162x128xi32, #tpu.memory_space<hbm>> -> memref<162x128xi32, #tpu.memory_space<hbm>>
      %dma_wait3A_64 = arith.constant 0 : i32
      %dma_wait3A_65 = arith.constant 0 : i32
      %dma_wait3A_66 = tpu.memref_slice %arg3[%arg1, %dma_wait3A_64, %dma_wait3A_65] : memref<16x162x128xi32, #tpu.memory_space<hbm>> -> memref<1x162x128xi32, #tpu.memory_space<hbm>>
      %dma_wait3A_67 = tpu.memref_squeeze %dma_wait3A_66 : memref<1x162x128xi32, #tpu.memory_space<hbm>> -> memref<162x128xi32, #tpu.memory_space<hbm>>
      tpu.wait_dma2 semaphore(%run_scoped3A : memref<!tpu.dma_semaphore, #tpu.memory_space<semaphore_mem>>) src(%dma_wait3A_67 : memref<162x128xi32, #tpu.memory_space<hbm>>) dst(%arg8 : memref<162x128xi32, #tpu.memory_space<vmem>>)
      tpu.yield
    }) : () -> ()
    %barrier3A = arith.constant 0 : index
    tpu.barrier barrier_id(%barrier3A)
    %dma_start3A = arith.constant 0 : i32
    %dma_start3A_1 = arith.constant 0 : i32
    %dma_start3A_2 = tpu.memref_slice %arg7[%dma_start3A, %dma_start3A_1] : memref<162x128xi32, #tpu.memory_space<vmem>> -> memref<1x128xi32, #tpu.memory_space<vmem>>
    %dma_start3A_3 = tpu.memref_squeeze %dma_start3A_2 : memref<1x128xi32, #tpu.memory_space<vmem>> -> memref<128xi32, #tpu.memory_space<vmem>>
    %dma_start3A_4 = arith.constant 0 : i32
    %dma_start3A_5 = arith.constant 0 : i32
    %dma_start3A_6 = tpu.memref_slice %arg4[%dma_start3A_4, %dma_start3A_5] : memref<20000x64xf32, #tpu.memory_space<hbm>> -> memref<20000x64xf32, #tpu.memory_space<hbm>>
    tpu.enqueue_indirect_dma source(%dma_start3A_6 : memref<20000x64xf32, #tpu.memory_space<hbm>>) target(%arg9 : memref<128x64xf32, #tpu.memory_space<vmem>>) offsets(%dma_start3A_3 : memref<128xi32, #tpu.memory_space<vmem>>) semaphore(%arg16 : memref<!tpu.dma_semaphore, #tpu.memory_space<semaphore_mem>>)
    %dma_start3A_7 = arith.constant 1 : i32
    %dma_start3A_8 = arith.constant 0 : i32
    %dma_start3A_9 = tpu.memref_slice %arg7[%dma_start3A_7, %dma_start3A_8] : memref<162x128xi32, #tpu.memory_space<vmem>> -> memref<1x128xi32, #tpu.memory_space<vmem>>
    %dma_start3A_10 = tpu.memref_squeeze %dma_start3A_9 : memref<1x128xi32, #tpu.memory_space<vmem>> -> memref<128xi32, #tpu.memory_space<vmem>>
    %dma_start3A_11 = arith.constant 0 : i32
    %dma_start3A_12 = arith.constant 0 : i32
    %dma_start3A_13 = tpu.memref_slice %arg4[%dma_start3A_11, %dma_start3A_12] : memref<20000x64xf32, #tpu.memory_space<hbm>> -> memref<20000x64xf32, #tpu.memory_space<hbm>>
    tpu.enqueue_indirect_dma source(%dma_start3A_13 : memref<20000x64xf32, #tpu.memory_space<hbm>>) target(%arg10 : memref<128x64xf32, #tpu.memory_space<vmem>>) offsets(%dma_start3A_10 : memref<128xi32, #tpu.memory_space<vmem>>) semaphore(%arg17 : memref<!tpu.dma_semaphore, #tpu.memory_space<semaphore_mem>>)
    %dma_start3A_14 = arith.constant 2 : i32
    %dma_start3A_15 = arith.constant 0 : i32
    %dma_start3A_16 = tpu.memref_slice %arg7[%dma_start3A_14, %dma_start3A_15] : memref<162x128xi32, #tpu.memory_space<vmem>> -> memref<1x128xi32, #tpu.memory_space<vmem>>
    %dma_start3A_17 = tpu.memref_squeeze %dma_start3A_16 : memref<1x128xi32, #tpu.memory_space<vmem>> -> memref<128xi32, #tpu.memory_space<vmem>>
    %dma_start3A_18 = arith.constant 0 : i32
    %dma_start3A_19 = arith.constant 0 : i32
    %dma_start3A_20 = tpu.memref_slice %arg4[%dma_start3A_18, %dma_start3A_19] : memref<20000x64xf32, #tpu.memory_space<hbm>> -> memref<20000x64xf32, #tpu.memory_space<hbm>>
    tpu.enqueue_indirect_dma source(%dma_start3A_20 : memref<20000x64xf32, #tpu.memory_space<hbm>>) target(%arg11 : memref<128x64xf32, #tpu.memory_space<vmem>>) offsets(%dma_start3A_17 : memref<128xi32, #tpu.memory_space<vmem>>) semaphore(%arg18 : memref<!tpu.dma_semaphore, #tpu.memory_space<semaphore_mem>>)
    %dma_start3A_21 = arith.constant 3 : i32
    %dma_start3A_22 = arith.constant 0 : i32
    %dma_start3A_23 = tpu.memref_slice %arg7[%dma_start3A_21, %dma_start3A_22] : memref<162x128xi32, #tpu.memory_space<vmem>> -> memref<1x128xi32, #tpu.memory_space<vmem>>
    %dma_start3A_24 = tpu.memref_squeeze %dma_start3A_23 : memref<1x128xi32, #tpu.memory_space<vmem>> -> memref<128xi32, #tpu.memory_space<vmem>>
    %dma_start3A_25 = arith.constant 0 : i32
    %dma_start3A_26 = arith.constant 0 : i32
    %dma_start3A_27 = tpu.memref_slice %arg4[%dma_start3A_25, %dma_start3A_26] : memref<20000x64xf32, #tpu.memory_space<hbm>> -> memref<20000x64xf32, #tpu.memory_space<hbm>>
    tpu.enqueue_indirect_dma source(%dma_start3A_27 : memref<20000x64xf32, #tpu.memory_space<hbm>>) target(%arg12 : memref<128x64xf32, #tpu.memory_space<vmem>>) offsets(%dma_start3A_24 : memref<128xi32, #tpu.memory_space<vmem>>) semaphore(%arg19 : memref<!tpu.dma_semaphore, #tpu.memory_space<semaphore_mem>>)
    %dma_start3A_28 = arith.constant 4 : i32
    %dma_start3A_29 = arith.constant 0 : i32
    %dma_start3A_30 = tpu.memref_slice %arg7[%dma_start3A_28, %dma_start3A_29] : memref<162x128xi32, #tpu.memory_space<vmem>> -> memref<1x128xi32, #tpu.memory_space<vmem>>
    %dma_start3A_31 = tpu.memref_squeeze %dma_start3A_30 : memref<1x128xi32, #tpu.memory_space<vmem>> -> memref<128xi32, #tpu.memory_space<vmem>>
    %dma_start3A_32 = arith.constant 0 : i32
    %dma_start3A_33 = arith.constant 0 : i32
    %dma_start3A_34 = tpu.memref_slice %arg4[%dma_start3A_32, %dma_start3A_33] : memref<20000x64xf32, #tpu.memory_space<hbm>> -> memref<20000x64xf32, #tpu.memory_space<hbm>>
    tpu.enqueue_indirect_dma source(%dma_start3A_34 : memref<20000x64xf32, #tpu.memory_space<hbm>>) target(%arg13 : memref<128x64xf32, #tpu.memory_space<vmem>>) offsets(%dma_start3A_31 : memref<128xi32, #tpu.memory_space<vmem>>) semaphore(%arg20 : memref<!tpu.dma_semaphore, #tpu.memory_space<semaphore_mem>>)
    %dma_start3A_35 = arith.constant 5 : i32
    %dma_start3A_36 = arith.constant 0 : i32
    %dma_start3A_37 = tpu.memref_slice %arg7[%dma_start3A_35, %dma_start3A_36] : memref<162x128xi32, #tpu.memory_space<vmem>> -> memref<1x128xi32, #tpu.memory_space<vmem>>
    %dma_start3A_38 = tpu.memref_squeeze %dma_start3A_37 : memref<1x128xi32, #tpu.memory_space<vmem>> -> memref<128xi32, #tpu.memory_space<vmem>>
    %dma_start3A_39 = arith.constant 0 : i32
    %dma_start3A_40 = arith.constant 0 : i32
    %dma_start3A_41 = tpu.memref_slice %arg4[%dma_start3A_39, %dma_start3A_40] : memref<20000x64xf32, #tpu.memory_space<hbm>> -> memref<20000x64xf32, #tpu.memory_space<hbm>>
    tpu.enqueue_indirect_dma source(%dma_start3A_41 : memref<20000x64xf32, #tpu.memory_space<hbm>>) target(%arg14 : memref<128x64xf32, #tpu.memory_space<vmem>>) offsets(%dma_start3A_38 : memref<128xi32, #tpu.memory_space<vmem>>) semaphore(%arg21 : memref<!tpu.dma_semaphore, #tpu.memory_space<semaphore_mem>>)
    %scan3A = arith.constant 0 : i32
    %scan3A_42 = arith.constant 0 : i32
    %scan3A_43 = arith.constant 27 : i32
    %scan3A_44 = arith.addi %scan3A_42, %scan3A_43 : i32
    %scan3A_45 = arith.constant 1 : i32
    %scan3A_46 = scf.for %scan3A_53 = %scan3A_42 to %scan3A_44 step %scan3A_45 iter_args(%scan3A_54 = %scan3A) -> (i32)  : i32 {
      %mul3A_55 = arith.constant 6 : i32
      %mul3A_56 = arith.muli %mul3A_55, %scan3A_53 : i32
      %add3A = arith.constant 0 : i32
      %add3A_57 = arith.addi %mul3A_56, %add3A : i32
      %dma_wait3A = arith.constant 0 : i32
      %dma_wait3A_58 = tpu.memref_slice %arg7[%add3A_57, %dma_wait3A] : memref<162x128xi32, #tpu.memory_space<vmem>> -> memref<1x128xi32, #tpu.memory_space<vmem>>
      %dma_wait3A_59 = tpu.memref_squeeze %dma_wait3A_58 : memref<1x128xi32, #tpu.memory_space<vmem>> -> memref<128xi32, #tpu.memory_space<vmem>>
      %dma_wait3A_60 = arith.constant 0 : i32
      %dma_wait3A_61 = arith.constant 0 : i32
      %dma_wait3A_62 = tpu.memref_slice %arg4[%dma_wait3A_60, %dma_wait3A_61] : memref<20000x64xf32, #tpu.memory_space<hbm>> -> memref<20000x64xf32, #tpu.memory_space<hbm>>
      tpu.wait_indirect_dma semaphore(%arg16 : memref<!tpu.dma_semaphore, #tpu.memory_space<semaphore_mem>>) src(%dma_wait3A_62 : memref<20000x64xf32, #tpu.memory_space<hbm>>) dst(%arg9 : memref<128x64xf32, #tpu.memory_space<vmem>>)
      %add3A_63 = arith.constant 0 : i32
      %add3A_64 = arith.addi %mul3A_56, %add3A_63 : i32
      %dma_start3A_65 = arith.constant 0 : i32
      %dma_start3A_66 = tpu.memref_slice %arg8[%add3A_64, %dma_start3A_65] : memref<162x128xi32, #tpu.memory_space<vmem>> -> memref<1x128xi32, #tpu.memory_space<vmem>>
      %dma_start3A_67 = tpu.memref_squeeze %dma_start3A_66 : memref<1x128xi32, #tpu.memory_space<vmem>> -> memref<128xi32, #tpu.memory_space<vmem>>
      %dma_start3A_68 = arith.constant 0 : i32
      %dma_start3A_69 = arith.constant 0 : i32
      %dma_start3A_70 = tpu.memref_slice %arg15[%dma_start3A_68, %dma_start3A_69] : memref<10112x64xf32, #tpu.memory_space<vmem_shared>> -> memref<10112x64xf32, #tpu.memory_space<vmem_shared>>
      tpu.enqueue_indirect_dma source(%arg9 : memref<128x64xf32, #tpu.memory_space<vmem>>) target(%dma_start3A_70 : memref<10112x64xf32, #tpu.memory_space<vmem_shared>>) offsets(%dma_start3A_67 : memref<128xi32, #tpu.memory_space<vmem>>) semaphore(%arg22 : memref<!tpu.dma_semaphore, #tpu.memory_space<semaphore_mem>>) {add = true}
      %add3A_71 = arith.constant 1 : i32
      %add3A_72 = arith.addi %mul3A_56, %add3A_71 : i32
      %dma_wait3A_73 = arith.constant 0 : i32
      %dma_wait3A_74 = tpu.memref_slice %arg7[%add3A_72, %dma_wait3A_73] : memref<162x128xi32, #tpu.memory_space<vmem>> -> memref<1x128xi32, #tpu.memory_space<vmem>>
      %dma_wait3A_75 = tpu.memref_squeeze %dma_wait3A_74 : memref<1x128xi32, #tpu.memory_space<vmem>> -> memref<128xi32, #tpu.memory_space<vmem>>
      %dma_wait3A_76 = arith.constant 0 : i32
      %dma_wait3A_77 = arith.constant 0 : i32
      %dma_wait3A_78 = tpu.memref_slice %arg4[%dma_wait3A_76, %dma_wait3A_77] : memref<20000x64xf32, #tpu.memory_space<hbm>> -> memref<20000x64xf32, #tpu.memory_space<hbm>>
      tpu.wait_indirect_dma semaphore(%arg17 : memref<!tpu.dma_semaphore, #tpu.memory_space<semaphore_mem>>) src(%dma_wait3A_78 : memref<20000x64xf32, #tpu.memory_space<hbm>>) dst(%arg10 : memref<128x64xf32, #tpu.memory_space<vmem>>)
      %add3A_79 = arith.constant 1 : i32
      %add3A_80 = arith.addi %mul3A_56, %add3A_79 : i32
      %dma_start3A_81 = arith.constant 0 : i32
      %dma_start3A_82 = tpu.memref_slice %arg8[%add3A_80, %dma_start3A_81] : memref<162x128xi32, #tpu.memory_space<vmem>> -> memref<1x128xi32, #tpu.memory_space<vmem>>
      %dma_start3A_83 = tpu.memref_squeeze %dma_start3A_82 : memref<1x128xi32, #tpu.memory_space<vmem>> -> memref<128xi32, #tpu.memory_space<vmem>>
      %dma_start3A_84 = arith.constant 0 : i32
      %dma_start3A_85 = arith.constant 0 : i32
      %dma_start3A_86 = tpu.memref_slice %arg15[%dma_start3A_84, %dma_start3A_85] : memref<10112x64xf32, #tpu.memory_space<vmem_shared>> -> memref<10112x64xf32, #tpu.memory_space<vmem_shared>>
      tpu.enqueue_indirect_dma source(%arg10 : memref<128x64xf32, #tpu.memory_space<vmem>>) target(%dma_start3A_86 : memref<10112x64xf32, #tpu.memory_space<vmem_shared>>) offsets(%dma_start3A_83 : memref<128xi32, #tpu.memory_space<vmem>>) semaphore(%arg23 : memref<!tpu.dma_semaphore, #tpu.memory_space<semaphore_mem>>) {add = true}
      %add3A_87 = arith.constant 2 : i32
      %add3A_88 = arith.addi %mul3A_56, %add3A_87 : i32
      %dma_wait3A_89 = arith.constant 0 : i32
      %dma_wait3A_90 = tpu.memref_slice %arg7[%add3A_88, %dma_wait3A_89] : memref<162x128xi32, #tpu.memory_space<vmem>> -> memref<1x128xi32, #tpu.memory_space<vmem>>
      %dma_wait3A_91 = tpu.memref_squeeze %dma_wait3A_90 : memref<1x128xi32, #tpu.memory_space<vmem>> -> memref<128xi32, #tpu.memory_space<vmem>>
      %dma_wait3A_92 = arith.constant 0 : i32
      %dma_wait3A_93 = arith.constant 0 : i32
      %dma_wait3A_94 = tpu.memref_slice %arg4[%dma_wait3A_92, %dma_wait3A_93] : memref<20000x64xf32, #tpu.memory_space<hbm>> -> memref<20000x64xf32, #tpu.memory_space<hbm>>
      tpu.wait_indirect_dma semaphore(%arg18 : memref<!tpu.dma_semaphore, #tpu.memory_space<semaphore_mem>>) src(%dma_wait3A_94 : memref<20000x64xf32, #tpu.memory_space<hbm>>) dst(%arg11 : memref<128x64xf32, #tpu.memory_space<vmem>>)
      %add3A_95 = arith.constant 2 : i32
      %add3A_96 = arith.addi %mul3A_56, %add3A_95 : i32
      %dma_start3A_97 = arith.constant 0 : i32
      %dma_start3A_98 = tpu.memref_slice %arg8[%add3A_96, %dma_start3A_97] : memref<162x128xi32, #tpu.memory_space<vmem>> -> memref<1x128xi32, #tpu.memory_space<vmem>>
      %dma_start3A_99 = tpu.memref_squeeze %dma_start3A_98 : memref<1x128xi32, #tpu.memory_space<vmem>> -> memref<128xi32, #tpu.memory_space<vmem>>
      %dma_start3A_100 = arith.constant 0 : i32
      %dma_start3A_101 = arith.constant 0 : i32
      %dma_start3A_102 = tpu.memref_slice %arg15[%dma_start3A_100, %dma_start3A_101] : memref<10112x64xf32, #tpu.memory_space<vmem_shared>> -> memref<10112x64xf32, #tpu.memory_space<vmem_shared>>
      tpu.enqueue_indirect_dma source(%arg11 : memref<128x64xf32, #tpu.memory_space<vmem>>) target(%dma_start3A_102 : memref<10112x64xf32, #tpu.memory_space<vmem_shared>>) offsets(%dma_start3A_99 : memref<128xi32, #tpu.memory_space<vmem>>) semaphore(%arg24 : memref<!tpu.dma_semaphore, #tpu.memory_space<semaphore_mem>>) {add = true}
      %add3A_103 = arith.constant 3 : i32
      %add3A_104 = arith.addi %mul3A_56, %add3A_103 : i32
      %dma_wait3A_105 = arith.constant 0 : i32
      %dma_wait3A_106 = tpu.memref_slice %arg7[%add3A_104, %dma_wait3A_105] : memref<162x128xi32, #tpu.memory_space<vmem>> -> memref<1x128xi32, #tpu.memory_space<vmem>>
      %dma_wait3A_107 = tpu.memref_squeeze %dma_wait3A_106 : memref<1x128xi32, #tpu.memory_space<vmem>> -> memref<128xi32, #tpu.memory_space<vmem>>
      %dma_wait3A_108 = arith.constant 0 : i32
      %dma_wait3A_109 = arith.constant 0 : i32
      %dma_wait3A_110 = tpu.memref_slice %arg4[%dma_wait3A_108, %dma_wait3A_109] : memref<20000x64xf32, #tpu.memory_space<hbm>> -> memref<20000x64xf32, #tpu.memory_space<hbm>>
      tpu.wait_indirect_dma semaphore(%arg19 : memref<!tpu.dma_semaphore, #tpu.memory_space<semaphore_mem>>) src(%dma_wait3A_110 : memref<20000x64xf32, #tpu.memory_space<hbm>>) dst(%arg12 : memref<128x64xf32, #tpu.memory_space<vmem>>)
      %add3A_111 = arith.constant 3 : i32
      %add3A_112 = arith.addi %mul3A_56, %add3A_111 : i32
      %dma_start3A_113 = arith.constant 0 : i32
      %dma_start3A_114 = tpu.memref_slice %arg8[%add3A_112, %dma_start3A_113] : memref<162x128xi32, #tpu.memory_space<vmem>> -> memref<1x128xi32, #tpu.memory_space<vmem>>
      %dma_start3A_115 = tpu.memref_squeeze %dma_start3A_114 : memref<1x128xi32, #tpu.memory_space<vmem>> -> memref<128xi32, #tpu.memory_space<vmem>>
      %dma_start3A_116 = arith.constant 0 : i32
      %dma_start3A_117 = arith.constant 0 : i32
      %dma_start3A_118 = tpu.memref_slice %arg15[%dma_start3A_116, %dma_start3A_117] : memref<10112x64xf32, #tpu.memory_space<vmem_shared>> -> memref<10112x64xf32, #tpu.memory_space<vmem_shared>>
      tpu.enqueue_indirect_dma source(%arg12 : memref<128x64xf32, #tpu.memory_space<vmem>>) target(%dma_start3A_118 : memref<10112x64xf32, #tpu.memory_space<vmem_shared>>) offsets(%dma_start3A_115 : memref<128xi32, #tpu.memory_space<vmem>>) semaphore(%arg25 : memref<!tpu.dma_semaphore, #tpu.memory_space<semaphore_mem>>) {add = true}
      %add3A_119 = arith.constant 4 : i32
      %add3A_120 = arith.addi %mul3A_56, %add3A_119 : i32
      %dma_wait3A_121 = arith.constant 0 : i32
      %dma_wait3A_122 = tpu.memref_slice %arg7[%add3A_120, %dma_wait3A_121] : memref<162x128xi32, #tpu.memory_space<vmem>> -> memref<1x128xi32, #tpu.memory_space<vmem>>
      %dma_wait3A_123 = tpu.memref_squeeze %dma_wait3A_122 : memref<1x128xi32, #tpu.memory_space<vmem>> -> memref<128xi32, #tpu.memory_space<vmem>>
      %dma_wait3A_124 = arith.constant 0 : i32
      %dma_wait3A_125 = arith.constant 0 : i32
      %dma_wait3A_126 = tpu.memref_slice %arg4[%dma_wait3A_124, %dma_wait3A_125] : memref<20000x64xf32, #tpu.memory_space<hbm>> -> memref<20000x64xf32, #tpu.memory_space<hbm>>
      tpu.wait_indirect_dma semaphore(%arg20 : memref<!tpu.dma_semaphore, #tpu.memory_space<semaphore_mem>>) src(%dma_wait3A_126 : memref<20000x64xf32, #tpu.memory_space<hbm>>) dst(%arg13 : memref<128x64xf32, #tpu.memory_space<vmem>>)
      %add3A_127 = arith.constant 4 : i32
      %add3A_128 = arith.addi %mul3A_56, %add3A_127 : i32
      %dma_start3A_129 = arith.constant 0 : i32
      %dma_start3A_130 = tpu.memref_slice %arg8[%add3A_128, %dma_start3A_129] : memref<162x128xi32, #tpu.memory_space<vmem>> -> memref<1x128xi32, #tpu.memory_space<vmem>>
      %dma_start3A_131 = tpu.memref_squeeze %dma_start3A_130 : memref<1x128xi32, #tpu.memory_space<vmem>> -> memref<128xi32, #tpu.memory_space<vmem>>
      %dma_start3A_132 = arith.constant 0 : i32
      %dma_start3A_133 = arith.constant 0 : i32
      %dma_start3A_134 = tpu.memref_slice %arg15[%dma_start3A_132, %dma_start3A_133] : memref<10112x64xf32, #tpu.memory_space<vmem_shared>> -> memref<10112x64xf32, #tpu.memory_space<vmem_shared>>
      tpu.enqueue_indirect_dma source(%arg13 : memref<128x64xf32, #tpu.memory_space<vmem>>) target(%dma_start3A_134 : memref<10112x64xf32, #tpu.memory_space<vmem_shared>>) offsets(%dma_start3A_131 : memref<128xi32, #tpu.memory_space<vmem>>) semaphore(%arg26 : memref<!tpu.dma_semaphore, #tpu.memory_space<semaphore_mem>>) {add = true}
      %add3A_135 = arith.constant 5 : i32
      %add3A_136 = arith.addi %mul3A_56, %add3A_135 : i32
      %dma_wait3A_137 = arith.constant 0 : i32
      %dma_wait3A_138 = tpu.memref_slice %arg7[%add3A_136, %dma_wait3A_137] : memref<162x128xi32, #tpu.memory_space<vmem>> -> memref<1x128xi32, #tpu.memory_space<vmem>>
      %dma_wait3A_139 = tpu.memref_squeeze %dma_wait3A_138 : memref<1x128xi32, #tpu.memory_space<vmem>> -> memref<128xi32, #tpu.memory_space<vmem>>
      %dma_wait3A_140 = arith.constant 0 : i32
      %dma_wait3A_141 = arith.constant 0 : i32
      %dma_wait3A_142 = tpu.memref_slice %arg4[%dma_wait3A_140, %dma_wait3A_141] : memref<20000x64xf32, #tpu.memory_space<hbm>> -> memref<20000x64xf32, #tpu.memory_space<hbm>>
      tpu.wait_indirect_dma semaphore(%arg21 : memref<!tpu.dma_semaphore, #tpu.memory_space<semaphore_mem>>) src(%dma_wait3A_142 : memref<20000x64xf32, #tpu.memory_space<hbm>>) dst(%arg14 : memref<128x64xf32, #tpu.memory_space<vmem>>)
      %add3A_143 = arith.constant 5 : i32
      %add3A_144 = arith.addi %mul3A_56, %add3A_143 : i32
      %dma_start3A_145 = arith.constant 0 : i32
      %dma_start3A_146 = tpu.memref_slice %arg8[%add3A_144, %dma_start3A_145] : memref<162x128xi32, #tpu.memory_space<vmem>> -> memref<1x128xi32, #tpu.memory_space<vmem>>
      %dma_start3A_147 = tpu.memref_squeeze %dma_start3A_146 : memref<1x128xi32, #tpu.memory_space<vmem>> -> memref<128xi32, #tpu.memory_space<vmem>>
      %dma_start3A_148 = arith.constant 0 : i32
      %dma_start3A_149 = arith.constant 0 : i32
      %dma_start3A_150 = tpu.memref_slice %arg15[%dma_start3A_148, %dma_start3A_149] : memref<10112x64xf32, #tpu.memory_space<vmem_shared>> -> memref<10112x64xf32, #tpu.memory_space<vmem_shared>>
      tpu.enqueue_indirect_dma source(%arg14 : memref<128x64xf32, #tpu.memory_space<vmem>>) target(%dma_start3A_150 : memref<10112x64xf32, #tpu.memory_space<vmem_shared>>) offsets(%dma_start3A_147 : memref<128xi32, #tpu.memory_space<vmem>>) semaphore(%arg27 : memref<!tpu.dma_semaphore, #tpu.memory_space<semaphore_mem>>) {add = true}
      %add3A_151 = arith.constant 0 : i32
      %add3A_152 = arith.addi %mul3A_56, %add3A_151 : i32
      %dma_wait3A_153 = arith.constant 0 : i32
      %dma_wait3A_154 = tpu.memref_slice %arg8[%add3A_152, %dma_wait3A_153] : memref<162x128xi32, #tpu.memory_space<vmem>> -> memref<1x128xi32, #tpu.memory_space<vmem>>
      %dma_wait3A_155 = tpu.memref_squeeze %dma_wait3A_154 : memref<1x128xi32, #tpu.memory_space<vmem>> -> memref<128xi32, #tpu.memory_space<vmem>>
      %dma_wait3A_156 = arith.constant 0 : i32
      %dma_wait3A_157 = arith.constant 0 : i32
      %dma_wait3A_158 = tpu.memref_slice %arg15[%dma_wait3A_156, %dma_wait3A_157] : memref<10112x64xf32, #tpu.memory_space<vmem_shared>> -> memref<10112x64xf32, #tpu.memory_space<vmem_shared>>
      tpu.wait_indirect_dma semaphore(%arg22 : memref<!tpu.dma_semaphore, #tpu.memory_space<semaphore_mem>>) src(%arg9 : memref<128x64xf32, #tpu.memory_space<vmem>>) dst(%dma_wait3A_158 : memref<10112x64xf32, #tpu.memory_space<vmem_shared>>)
      %add3A_159 = arith.constant 1 : i32
      %add3A_160 = arith.addi %scan3A_53, %add3A_159 : i32
      %lt3A = arith.constant 27 : i32
      %lt3A_161 = arith.cmpi slt, %add3A_160, %lt3A : i32
      %convert_element_type3A = arith.extui %lt3A_161 : i1 to i32
      %cond3A = arith.constant 0 : i32
      %cond3A_162 = arith.cmpi ne, %convert_element_type3A, %cond3A : i32
      scf.if %cond3A_162 {
        %add3A_239 = arith.constant 6 : i32
        %add3A_240 = arith.addi %mul3A_56, %add3A_239 : i32
        %add3A_241 = arith.constant 0 : i32
        %add3A_242 = arith.addi %add3A_240, %add3A_241 : i32
        %dma_start3A_243 = arith.constant 0 : i32
        %dma_start3A_244 = tpu.memref_slice %arg7[%add3A_242, %dma_start3A_243] : memref<162x128xi32, #tpu.memory_space<vmem>> -> memref<1x128xi32, #tpu.memory_space<vmem>>
        %dma_start3A_245 = tpu.memref_squeeze %dma_start3A_244 : memref<1x128xi32, #tpu.memory_space<vmem>> -> memref<128xi32, #tpu.memory_space<vmem>>
        %dma_start3A_246 = arith.constant 0 : i32
        %dma_start3A_247 = arith.constant 0 : i32
        %dma_start3A_248 = tpu.memref_slice %arg4[%dma_start3A_246, %dma_start3A_247] : memref<20000x64xf32, #tpu.memory_space<hbm>> -> memref<20000x64xf32, #tpu.memory_space<hbm>>
        tpu.enqueue_indirect_dma source(%dma_start3A_248 : memref<20000x64xf32, #tpu.memory_space<hbm>>) target(%arg9 : memref<128x64xf32, #tpu.memory_space<vmem>>) offsets(%dma_start3A_245 : memref<128xi32, #tpu.memory_space<vmem>>) semaphore(%arg16 : memref<!tpu.dma_semaphore, #tpu.memory_space<semaphore_mem>>)
      } else {
      }
      %add3A_163 = arith.constant 1 : i32
      %add3A_164 = arith.addi %mul3A_56, %add3A_163 : i32
      %dma_wait3A_165 = arith.constant 0 : i32
      %dma_wait3A_166 = tpu.memref_slice %arg8[%add3A_164, %dma_wait3A_165] : memref<162x128xi32, #tpu.memory_space<vmem>> -> memref<1x128xi32, #tpu.memory_space<vmem>>
      %dma_wait3A_167 = tpu.memref_squeeze %dma_wait3A_166 : memref<1x128xi32, #tpu.memory_space<vmem>> -> memref<128xi32, #tpu.memory_space<vmem>>
      %dma_wait3A_168 = arith.constant 0 : i32
      %dma_wait3A_169 = arith.constant 0 : i32
      %dma_wait3A_170 = tpu.memref_slice %arg15[%dma_wait3A_168, %dma_wait3A_169] : memref<10112x64xf32, #tpu.memory_space<vmem_shared>> -> memref<10112x64xf32, #tpu.memory_space<vmem_shared>>
      tpu.wait_indirect_dma semaphore(%arg23 : memref<!tpu.dma_semaphore, #tpu.memory_space<semaphore_mem>>) src(%arg10 : memref<128x64xf32, #tpu.memory_space<vmem>>) dst(%dma_wait3A_170 : memref<10112x64xf32, #tpu.memory_space<vmem_shared>>)
      %add3A_171 = arith.constant 1 : i32
      %add3A_172 = arith.addi %scan3A_53, %add3A_171 : i32
      %lt3A_173 = arith.constant 27 : i32
      %lt3A_174 = arith.cmpi slt, %add3A_172, %lt3A_173 : i32
      %convert_element_type3A_175 = arith.extui %lt3A_174 : i1 to i32
      %cond3A_176 = arith.constant 0 : i32
      %cond3A_177 = arith.cmpi ne, %convert_element_type3A_175, %cond3A_176 : i32
      scf.if %cond3A_177 {
        %add3A_239 = arith.constant 6 : i32
        %add3A_240 = arith.addi %mul3A_56, %add3A_239 : i32
        %add3A_241 = arith.constant 1 : i32
        %add3A_242 = arith.addi %add3A_240, %add3A_241 : i32
        %dma_start3A_243 = arith.constant 0 : i32
        %dma_start3A_244 = tpu.memref_slice %arg7[%add3A_242, %dma_start3A_243] : memref<162x128xi32, #tpu.memory_space<vmem>> -> memref<1x128xi32, #tpu.memory_space<vmem>>
        %dma_start3A_245 = tpu.memref_squeeze %dma_start3A_244 : memref<1x128xi32, #tpu.memory_space<vmem>> -> memref<128xi32, #tpu.memory_space<vmem>>
        %dma_start3A_246 = arith.constant 0 : i32
        %dma_start3A_247 = arith.constant 0 : i32
        %dma_start3A_248 = tpu.memref_slice %arg4[%dma_start3A_246, %dma_start3A_247] : memref<20000x64xf32, #tpu.memory_space<hbm>> -> memref<20000x64xf32, #tpu.memory_space<hbm>>
        tpu.enqueue_indirect_dma source(%dma_start3A_248 : memref<20000x64xf32, #tpu.memory_space<hbm>>) target(%arg10 : memref<128x64xf32, #tpu.memory_space<vmem>>) offsets(%dma_start3A_245 : memref<128xi32, #tpu.memory_space<vmem>>) semaphore(%arg17 : memref<!tpu.dma_semaphore, #tpu.memory_space<semaphore_mem>>)
      } else {
      }
      %add3A_178 = arith.constant 2 : i32
      %add3A_179 = arith.addi %mul3A_56, %add3A_178 : i32
      %dma_wait3A_180 = arith.constant 0 : i32
      %dma_wait3A_181 = tpu.memref_slice %arg8[%add3A_179, %dma_wait3A_180] : memref<162x128xi32, #tpu.memory_space<vmem>> -> memref<1x128xi32, #tpu.memory_space<vmem>>
      %dma_wait3A_182 = tpu.memref_squeeze %dma_wait3A_181 : memref<1x128xi32, #tpu.memory_space<vmem>> -> memref<128xi32, #tpu.memory_space<vmem>>
      %dma_wait3A_183 = arith.constant 0 : i32
      %dma_wait3A_184 = arith.constant 0 : i32
      %dma_wait3A_185 = tpu.memref_slice %arg15[%dma_wait3A_183, %dma_wait3A_184] : memref<10112x64xf32, #tpu.memory_space<vmem_shared>> -> memref<10112x64xf32, #tpu.memory_space<vmem_shared>>
      tpu.wait_indirect_dma semaphore(%arg24 : memref<!tpu.dma_semaphore, #tpu.memory_space<semaphore_mem>>) src(%arg11 : memref<128x64xf32, #tpu.memory_space<vmem>>) dst(%dma_wait3A_185 : memref<10112x64xf32, #tpu.memory_space<vmem_shared>>)
      %add3A_186 = arith.constant 1 : i32
      %add3A_187 = arith.addi %scan3A_53, %add3A_186 : i32
      %lt3A_188 = arith.constant 27 : i32
      %lt3A_189 = arith.cmpi slt, %add3A_187, %lt3A_188 : i32
      %convert_element_type3A_190 = arith.extui %lt3A_189 : i1 to i32
      %cond3A_191 = arith.constant 0 : i32
      %cond3A_192 = arith.cmpi ne, %convert_element_type3A_190, %cond3A_191 : i32
      scf.if %cond3A_192 {
        %add3A_239 = arith.constant 6 : i32
        %add3A_240 = arith.addi %mul3A_56, %add3A_239 : i32
        %add3A_241 = arith.constant 2 : i32
        %add3A_242 = arith.addi %add3A_240, %add3A_241 : i32
        %dma_start3A_243 = arith.constant 0 : i32
        %dma_start3A_244 = tpu.memref_slice %arg7[%add3A_242, %dma_start3A_243] : memref<162x128xi32, #tpu.memory_space<vmem>> -> memref<1x128xi32, #tpu.memory_space<vmem>>
        %dma_start3A_245 = tpu.memref_squeeze %dma_start3A_244 : memref<1x128xi32, #tpu.memory_space<vmem>> -> memref<128xi32, #tpu.memory_space<vmem>>
        %dma_start3A_246 = arith.constant 0 : i32
        %dma_start3A_247 = arith.constant 0 : i32
        %dma_start3A_248 = tpu.memref_slice %arg4[%dma_start3A_246, %dma_start3A_247] : memref<20000x64xf32, #tpu.memory_space<hbm>> -> memref<20000x64xf32, #tpu.memory_space<hbm>>
        tpu.enqueue_indirect_dma source(%dma_start3A_248 : memref<20000x64xf32, #tpu.memory_space<hbm>>) target(%arg11 : memref<128x64xf32, #tpu.memory_space<vmem>>) offsets(%dma_start3A_245 : memref<128xi32, #tpu.memory_space<vmem>>) semaphore(%arg18 : memref<!tpu.dma_semaphore, #tpu.memory_space<semaphore_mem>>)
      } else {
      }
      %add3A_193 = arith.constant 3 : i32
      %add3A_194 = arith.addi %mul3A_56, %add3A_193 : i32
      %dma_wait3A_195 = arith.constant 0 : i32
      %dma_wait3A_196 = tpu.memref_slice %arg8[%add3A_194, %dma_wait3A_195] : memref<162x128xi32, #tpu.memory_space<vmem>> -> memref<1x128xi32, #tpu.memory_space<vmem>>
      %dma_wait3A_197 = tpu.memref_squeeze %dma_wait3A_196 : memref<1x128xi32, #tpu.memory_space<vmem>> -> memref<128xi32, #tpu.memory_space<vmem>>
      %dma_wait3A_198 = arith.constant 0 : i32
      %dma_wait3A_199 = arith.constant 0 : i32
      %dma_wait3A_200 = tpu.memref_slice %arg15[%dma_wait3A_198, %dma_wait3A_199] : memref<10112x64xf32, #tpu.memory_space<vmem_shared>> -> memref<10112x64xf32, #tpu.memory_space<vmem_shared>>
      tpu.wait_indirect_dma semaphore(%arg25 : memref<!tpu.dma_semaphore, #tpu.memory_space<semaphore_mem>>) src(%arg12 : memref<128x64xf32, #tpu.memory_space<vmem>>) dst(%dma_wait3A_200 : memref<10112x64xf32, #tpu.memory_space<vmem_shared>>)
      %add3A_201 = arith.constant 1 : i32
      %add3A_202 = arith.addi %scan3A_53, %add3A_201 : i32
      %lt3A_203 = arith.constant 27 : i32
      %lt3A_204 = arith.cmpi slt, %add3A_202, %lt3A_203 : i32
      %convert_element_type3A_205 = arith.extui %lt3A_204 : i1 to i32
      %cond3A_206 = arith.constant 0 : i32
      %cond3A_207 = arith.cmpi ne, %convert_element_type3A_205, %cond3A_206 : i32
      scf.if %cond3A_207 {
        %add3A_239 = arith.constant 6 : i32
        %add3A_240 = arith.addi %mul3A_56, %add3A_239 : i32
        %add3A_241 = arith.constant 3 : i32
        %add3A_242 = arith.addi %add3A_240, %add3A_241 : i32
        %dma_start3A_243 = arith.constant 0 : i32
        %dma_start3A_244 = tpu.memref_slice %arg7[%add3A_242, %dma_start3A_243] : memref<162x128xi32, #tpu.memory_space<vmem>> -> memref<1x128xi32, #tpu.memory_space<vmem>>
        %dma_start3A_245 = tpu.memref_squeeze %dma_start3A_244 : memref<1x128xi32, #tpu.memory_space<vmem>> -> memref<128xi32, #tpu.memory_space<vmem>>
        %dma_start3A_246 = arith.constant 0 : i32
        %dma_start3A_247 = arith.constant 0 : i32
        %dma_start3A_248 = tpu.memref_slice %arg4[%dma_start3A_246, %dma_start3A_247] : memref<20000x64xf32, #tpu.memory_space<hbm>> -> memref<20000x64xf32, #tpu.memory_space<hbm>>
        tpu.enqueue_indirect_dma source(%dma_start3A_248 : memref<20000x64xf32, #tpu.memory_space<hbm>>) target(%arg12 : memref<128x64xf32, #tpu.memory_space<vmem>>) offsets(%dma_start3A_245 : memref<128xi32, #tpu.memory_space<vmem>>) semaphore(%arg19 : memref<!tpu.dma_semaphore, #tpu.memory_space<semaphore_mem>>)
      } else {
      }
      %add3A_208 = arith.constant 4 : i32
      %add3A_209 = arith.addi %mul3A_56, %add3A_208 : i32
      %dma_wait3A_210 = arith.constant 0 : i32
      %dma_wait3A_211 = tpu.memref_slice %arg8[%add3A_209, %dma_wait3A_210] : memref<162x128xi32, #tpu.memory_space<vmem>> -> memref<1x128xi32, #tpu.memory_space<vmem>>
      %dma_wait3A_212 = tpu.memref_squeeze %dma_wait3A_211 : memref<1x128xi32, #tpu.memory_space<vmem>> -> memref<128xi32, #tpu.memory_space<vmem>>
      %dma_wait3A_213 = arith.constant 0 : i32
      %dma_wait3A_214 = arith.constant 0 : i32
      %dma_wait3A_215 = tpu.memref_slice %arg15[%dma_wait3A_213, %dma_wait3A_214] : memref<10112x64xf32, #tpu.memory_space<vmem_shared>> -> memref<10112x64xf32, #tpu.memory_space<vmem_shared>>
      tpu.wait_indirect_dma semaphore(%arg26 : memref<!tpu.dma_semaphore, #tpu.memory_space<semaphore_mem>>) src(%arg13 : memref<128x64xf32, #tpu.memory_space<vmem>>) dst(%dma_wait3A_215 : memref<10112x64xf32, #tpu.memory_space<vmem_shared>>)
      %add3A_216 = arith.constant 1 : i32
      %add3A_217 = arith.addi %scan3A_53, %add3A_216 : i32
      %lt3A_218 = arith.constant 27 : i32
      %lt3A_219 = arith.cmpi slt, %add3A_217, %lt3A_218 : i32
      %convert_element_type3A_220 = arith.extui %lt3A_219 : i1 to i32
      %cond3A_221 = arith.constant 0 : i32
      %cond3A_222 = arith.cmpi ne, %convert_element_type3A_220, %cond3A_221 : i32
      scf.if %cond3A_222 {
        %add3A_239 = arith.constant 6 : i32
        %add3A_240 = arith.addi %mul3A_56, %add3A_239 : i32
        %add3A_241 = arith.constant 4 : i32
        %add3A_242 = arith.addi %add3A_240, %add3A_241 : i32
        %dma_start3A_243 = arith.constant 0 : i32
        %dma_start3A_244 = tpu.memref_slice %arg7[%add3A_242, %dma_start3A_243] : memref<162x128xi32, #tpu.memory_space<vmem>> -> memref<1x128xi32, #tpu.memory_space<vmem>>
        %dma_start3A_245 = tpu.memref_squeeze %dma_start3A_244 : memref<1x128xi32, #tpu.memory_space<vmem>> -> memref<128xi32, #tpu.memory_space<vmem>>
        %dma_start3A_246 = arith.constant 0 : i32
        %dma_start3A_247 = arith.constant 0 : i32
        %dma_start3A_248 = tpu.memref_slice %arg4[%dma_start3A_246, %dma_start3A_247] : memref<20000x64xf32, #tpu.memory_space<hbm>> -> memref<20000x64xf32, #tpu.memory_space<hbm>>
        tpu.enqueue_indirect_dma source(%dma_start3A_248 : memref<20000x64xf32, #tpu.memory_space<hbm>>) target(%arg13 : memref<128x64xf32, #tpu.memory_space<vmem>>) offsets(%dma_start3A_245 : memref<128xi32, #tpu.memory_space<vmem>>) semaphore(%arg20 : memref<!tpu.dma_semaphore, #tpu.memory_space<semaphore_mem>>)
      } else {
      }
      %add3A_223 = arith.constant 5 : i32
      %add3A_224 = arith.addi %mul3A_56, %add3A_223 : i32
      %dma_wait3A_225 = arith.constant 0 : i32
      %dma_wait3A_226 = tpu.memref_slice %arg8[%add3A_224, %dma_wait3A_225] : memref<162x128xi32, #tpu.memory_space<vmem>> -> memref<1x128xi32, #tpu.memory_space<vmem>>
      %dma_wait3A_227 = tpu.memref_squeeze %dma_wait3A_226 : memref<1x128xi32, #tpu.memory_space<vmem>> -> memref<128xi32, #tpu.memory_space<vmem>>
      %dma_wait3A_228 = arith.constant 0 : i32
      %dma_wait3A_229 = arith.constant 0 : i32
      %dma_wait3A_230 = tpu.memref_slice %arg15[%dma_wait3A_228, %dma_wait3A_229] : memref<10112x64xf32, #tpu.memory_space<vmem_shared>> -> memref<10112x64xf32, #tpu.memory_space<vmem_shared>>
      tpu.wait_indirect_dma semaphore(%arg27 : memref<!tpu.dma_semaphore, #tpu.memory_space<semaphore_mem>>) src(%arg14 : memref<128x64xf32, #tpu.memory_space<vmem>>) dst(%dma_wait3A_230 : memref<10112x64xf32, #tpu.memory_space<vmem_shared>>)
      %add3A_231 = arith.constant 1 : i32
      %add3A_232 = arith.addi %scan3A_53, %add3A_231 : i32
      %lt3A_233 = arith.constant 27 : i32
      %lt3A_234 = arith.cmpi slt, %add3A_232, %lt3A_233 : i32
      %convert_element_type3A_235 = arith.extui %lt3A_234 : i1 to i32
      %cond3A_236 = arith.constant 0 : i32
      %cond3A_237 = arith.cmpi ne, %convert_element_type3A_235, %cond3A_236 : i32
      scf.if %cond3A_237 {
        %add3A_239 = arith.constant 6 : i32
        %add3A_240 = arith.addi %mul3A_56, %add3A_239 : i32
        %add3A_241 = arith.constant 5 : i32
        %add3A_242 = arith.addi %add3A_240, %add3A_241 : i32
        %dma_start3A_243 = arith.constant 0 : i32
        %dma_start3A_244 = tpu.memref_slice %arg7[%add3A_242, %dma_start3A_243] : memref<162x128xi32, #tpu.memory_space<vmem>> -> memref<1x128xi32, #tpu.memory_space<vmem>>
        %dma_start3A_245 = tpu.memref_squeeze %dma_start3A_244 : memref<1x128xi32, #tpu.memory_space<vmem>> -> memref<128xi32, #tpu.memory_space<vmem>>
        %dma_start3A_246 = arith.constant 0 : i32
        %dma_start3A_247 = arith.constant 0 : i32
        %dma_start3A_248 = tpu.memref_slice %arg4[%dma_start3A_246, %dma_start3A_247] : memref<20000x64xf32, #tpu.memory_space<hbm>> -> memref<20000x64xf32, #tpu.memory_space<hbm>>
        tpu.enqueue_indirect_dma source(%dma_start3A_248 : memref<20000x64xf32, #tpu.memory_space<hbm>>) target(%arg14 : memref<128x64xf32, #tpu.memory_space<vmem>>) offsets(%dma_start3A_245 : memref<128xi32, #tpu.memory_space<vmem>>) semaphore(%arg21 : memref<!tpu.dma_semaphore, #tpu.memory_space<semaphore_mem>>)
      } else {
      }
      %scan3A_238 = arith.constant 0 : i32
      scf.yield %scan3A_238 : i32
    }
    %scan3A_47 = arith.constant 27 : i32
    %barrier3A_48 = arith.constant 0 : index
    tpu.barrier barrier_id(%barrier3A_48)
    %mul3A_49 = arith.constant 632 : i32
    %mul3A_50 = arith.muli %arg1, %mul3A_49 : i32
    %mul3A_51 = arith.constant 632 : i32
    %mul3A_52 = arith.muli %arg1, %mul3A_51 : i32
    "tpu.region"() ({
      %run_scoped3A = tpu.sem_alloc : memref<!tpu.dma_semaphore, #tpu.memory_space<semaphore_mem>>
      %dma_start3A_53 = arith.constant 0 : i32
      %dma_start3A_54 = tpu.memref_slice %arg6[%arg0, %mul3A_52, %dma_start3A_53] : memref<2x10112x64xf32, #tpu.memory_space<hbm>> -> memref<1x632x64xf32, #tpu.memory_space<hbm>>
      %dma_start3A_55 = tpu.memref_squeeze %dma_start3A_54 : memref<1x632x64xf32, #tpu.memory_space<hbm>> -> memref<632x64xf32, #tpu.memory_space<hbm>>
      %dma_start3A_56 = arith.constant 0 : i32
      %dma_start3A_57 = tpu.memref_slice %arg15[%mul3A_50, %dma_start3A_56] : memref<10112x64xf32, #tpu.memory_space<vmem_shared>> -> memref<632x64xf32, #tpu.memory_space<vmem_shared>>
      tpu.enqueue_dma source(%dma_start3A_57 : memref<632x64xf32, #tpu.memory_space<vmem_shared>>) target(%dma_start3A_55 : memref<632x64xf32, #tpu.memory_space<hbm>>) target_semaphore(%run_scoped3A : memref<!tpu.dma_semaphore, #tpu.memory_space<semaphore_mem>>)
      %dma_wait3A = arith.constant 0 : i32
      %dma_wait3A_58 = tpu.memref_slice %arg6[%arg0, %mul3A_52, %dma_wait3A] : memref<2x10112x64xf32, #tpu.memory_space<hbm>> -> memref<1x632x64xf32, #tpu.memory_space<hbm>>
      %dma_wait3A_59 = tpu.memref_squeeze %dma_wait3A_58 : memref<1x632x64xf32, #tpu.memory_space<hbm>> -> memref<632x64xf32, #tpu.memory_space<hbm>>
      %dma_wait3A_60 = arith.constant 0 : i32
      %dma_wait3A_61 = tpu.memref_slice %arg15[%mul3A_50, %dma_wait3A_60] : memref<10112x64xf32, #tpu.memory_space<vmem_shared>> -> memref<632x64xf32, #tpu.memory_space<vmem_shared>>
      tpu.wait_dma2 semaphore(%run_scoped3A : memref<!tpu.dma_semaphore, #tpu.memory_space<semaphore_mem>>) src(%dma_wait3A_61 : memref<632x64xf32, #tpu.memory_space<vmem_shared>>) dst(%dma_wait3A_59 : memref<632x64xf32, #tpu.memory_space<hbm>>)
      tpu.yield
    }) : () -> ()
    return
  }
}

module attributes {stable_mosaic.version = 14 : i64} {
  func.func @_dense_body(%arg0: i32, %arg1: memref<2x1000x64xf32, #tpu.memory_space<vmem>>, %arg2: memref<1000x128xf32, #tpu.memory_space<vmem>>, %arg3: memref<128x128xf32, #tpu.memory_space<vmem>>, %arg4: memref<128x128xf32, #tpu.memory_space<vmem>>, %arg5: memref<1x128xf32, #tpu.memory_space<vmem>>, %arg6: memref<1000x128xf32, #tpu.memory_space<vmem>>) attributes {dimension_semantics = [#tpu.dimension_semantics<arbitrary>], iteration_bounds = array<i64: 10>, scalar_prefetch = 0 : i64, scratch_operands = 0 : i64, tpu.core_type = #tpu.core_type<tc>, window_params = [{transform_indices = @transform_0, window_bounds = array<i64: 2, 1000, 64>}, {transform_indices = @transform_1, window_bounds = array<i64: 1000, 128>}, {pipeline_mode = #tpu.pipeline_mode<synchronous>, transform_indices = @transform_2, window_bounds = array<i64: 128, 128>}, {pipeline_mode = #tpu.pipeline_mode<synchronous>, transform_indices = @transform_3, window_bounds = array<i64: 128, 128>}, {pipeline_mode = #tpu.pipeline_mode<synchronous>, transform_indices = @transform_4, window_bounds = array<i64: 1, 128>}, {transform_indices = @transform_5, window_bounds = array<i64: 1000, 128>}]} {
    %get3A = arith.constant 0 : index
    %get3A_0 = arith.constant 0 : index
    %get3A_1 = arith.constant 0 : index
    %get3A_2 = vector.load %arg1[%get3A, %get3A_0, %get3A_1] : memref<2x1000x64xf32, #tpu.memory_space<vmem>>, vector<1x1000x64xf32>
    %get3A_3 = vector.shape_cast %get3A_2 : vector<1x1000x64xf32> to vector<1000x64xf32>
    %get3A_4 = arith.constant 0 : index
    %get3A_5 = arith.constant 0 : index
    %get3A_6 = vector.load %arg3[%get3A_4, %get3A_5] : memref<128x128xf32, #tpu.memory_space<vmem>>, vector<64x128xf32>
    %dot_general3A = arith.constant dense<0.000000e+00> : vector<1000x128xf32>
    %dot_general3A_7 = tpu.matmul %get3A_3, %get3A_6, %dot_general3A {dimension_numbers = #tpu.dot_dimension_numbers<[1], [0], [0], [1], [0, 0, 1, 1], [], []>, transpose_lhs_hint = false} : vector<1000x64xf32>, vector<64x128xf32>, vector<1000x128xf32> -> vector<1000x128xf32>
    %get3A_8 = arith.constant 1 : index
    %get3A_9 = arith.constant 0 : index
    %get3A_10 = arith.constant 0 : index
    %get3A_11 = vector.load %arg1[%get3A_8, %get3A_9, %get3A_10] : memref<2x1000x64xf32, #tpu.memory_space<vmem>>, vector<1x1000x64xf32>
    %get3A_12 = vector.shape_cast %get3A_11 : vector<1x1000x64xf32> to vector<1000x64xf32>
    %get3A_13 = arith.constant 64 : index
    %get3A_14 = arith.constant 0 : index
    %get3A_15 = vector.load %arg3[%get3A_13, %get3A_14] : memref<128x128xf32, #tpu.memory_space<vmem>>, vector<64x128xf32>
    %dot_general3A_16 = arith.constant dense<0.000000e+00> : vector<1000x128xf32>
    %dot_general3A_17 = tpu.matmul %get3A_12, %get3A_15, %dot_general3A_16 {dimension_numbers = #tpu.dot_dimension_numbers<[1], [0], [0], [1], [0, 0, 1, 1], [], []>, transpose_lhs_hint = false} : vector<1000x64xf32>, vector<64x128xf32>, vector<1000x128xf32> -> vector<1000x128xf32>
    %add3A = arith.addf %dot_general3A_7, %dot_general3A_17 : vector<1000x128xf32>
    %get3A_18 = arith.constant 0 : index
    %get3A_19 = arith.constant 0 : index
    %get3A_20 = vector.load %arg2[%get3A_18, %get3A_19] : memref<1000x128xf32, #tpu.memory_space<vmem>>, vector<1000x128xf32>
    %get3A_21 = arith.constant 0 : index
    %get3A_22 = arith.constant 0 : index
    %get3A_23 = vector.load %arg4[%get3A_21, %get3A_22] : memref<128x128xf32, #tpu.memory_space<vmem>>, vector<128x128xf32>
    %dot_general3A_24 = arith.constant dense<0.000000e+00> : vector<1000x128xf32>
    %dot_general3A_25 = tpu.matmul %get3A_20, %get3A_23, %dot_general3A_24 {dimension_numbers = #tpu.dot_dimension_numbers<[1], [0], [0], [1], [0, 0, 1, 1], [], []>, transpose_lhs_hint = false} : vector<1000x128xf32>, vector<128x128xf32>, vector<1000x128xf32> -> vector<1000x128xf32>
    %add3A_26 = arith.addf %add3A, %dot_general3A_25 : vector<1000x128xf32>
    %get3A_27 = arith.constant 0 : index
    %get3A_28 = arith.constant 0 : index
    %get3A_29 = vector.load %arg5[%get3A_27, %get3A_28] : memref<1x128xf32, #tpu.memory_space<vmem>>, vector<1x128xf32>
    %add3A_30 = vector.broadcast %get3A_29 : vector<1x128xf32> to vector<1000x128xf32>
    %add3A_31 = arith.addf %add3A_26, %add3A_30 : vector<1000x128xf32>
    %swap3A = arith.constant 0 : index
    %swap3A_32 = arith.constant 0 : index
    %swap3A_33 = vector.load %arg6[%swap3A, %swap3A_32] : memref<1000x128xf32, #tpu.memory_space<vmem>>, vector<1000x128xf32>
    tpu.vector_store %arg6[%swap3A, %swap3A_32], %add3A_31 {strides = array<i32>} : memref<1000x128xf32, #tpu.memory_space<vmem>>, vector<1000x128xf32>,
    return
  }
  func.func @transform_0(%arg0: i32) -> (i32, i32, i32) {
    %c0_i32 = arith.constant 0 : i32
    %c0_i32_0 = arith.constant 0 : i32
    %c0_i32_1 = arith.constant 0 : i32
    return %c0_i32, %arg0, %c0_i32_0 : i32, i32, i32
  }
  func.func @transform_1(%arg0: i32) -> (i32, i32) {
    %c0_i32 = arith.constant 0 : i32
    %c0_i32_0 = arith.constant 0 : i32
    return %arg0, %c0_i32 : i32, i32
  }
  func.func @transform_2(%arg0: i32) -> (i32, i32) {
    %c0_i32 = arith.constant 0 : i32
    %c0_i32_0 = arith.constant 0 : i32
    %c0_i32_1 = arith.constant 0 : i32
    return %c0_i32, %c0_i32_0 : i32, i32
  }
  func.func @transform_3(%arg0: i32) -> (i32, i32) {
    %c0_i32 = arith.constant 0 : i32
    %c0_i32_0 = arith.constant 0 : i32
    %c0_i32_1 = arith.constant 0 : i32
    return %c0_i32, %c0_i32_0 : i32, i32
  }
  func.func @transform_4(%arg0: i32) -> (i32, i32) {
    %c0_i32 = arith.constant 0 : i32
    %c0_i32_0 = arith.constant 0 : i32
    %c0_i32_1 = arith.constant 0 : i32
    return %c0_i32, %c0_i32_0 : i32, i32
  }
  func.func @transform_5(%arg0: i32) -> (i32, i32) {
    %c0_i32 = arith.constant 0 : i32
    %c0_i32_0 = arith.constant 0 : i32
    return %arg0, %c0_i32 : i32, i32
  }
}

</mosaic_0001>

<sc_bundles>
// kernel: kernel.4.cloned.1.call-start
scs
__scs_entry_jumppad:
0x0: {  	(pc) =	sbr.rel $0x88, $3  }
0x1: {  	(tag) =	ssettag $0x0;
	lr =	simm.s32 $0x1  }
0x2: {  	[smem:$0x3F9C] =	sst lr;
	_ =	strace $0xD0000000  }
0x3: {  	_ = 	snop  }
0x4: {  	_ = 	snop  }
0x5: {  	_ = 	snop  }
0x6: {  	_ = 	snop  }
0x7: {  	_ = 	snop  }
__scs_overlays_trampoline_lowered:
0x8: {  	[smem:$0x3FAB] =	sst s0  }
0x9: {  	[smem:$0x3FAC] =	sst s1  }
0xa: {  	[smem:$0x3FAD] =	sst s2  }
0xb: {  	[smem:$0x3FAE] =	sst s3  }
0xc: {  	[smem:$0x3FAF] =	sst s4  }
0xd: {  	[smem:$0x3FB0] =	sst s5  }
0xe: {  	[smem:$0x3FB1] =	sst s6  }
0xf: {  	[smem:$0x3FB2] =	sst s7  }
0x10: {  	[smem:$0x3FB3] =	sst s8  }
0x11: {  	[smem:$0x3FB4] =	sst s9;
	s0 =	simm.s32 @!p0 $0x0  }
0x12: {  	s1 =	sld [smem:$0x3F9A];
	s0 =	simm.s32 @p0 $0x1  }
0x13: {  	[smem:$0x3FB5] =	sst s0;
	s0 =	simm.s32 @!p1 $0x0  }
0x14: {  	s2 =	sld [smem:$0x3F99];
	s0 =	simm.s32 @p1 $0x1  }
0x15: {  	[smem:$0x3FB6] =	sst s0;
	s0 =	simm.s32 @!p2 $0x0  }
0x16: {  	s3 =	sld [smem:$0x3FDB];
	s0 =	simm.s32 @p2 $0x1  }
0x17: {  	s4 =	simm.s32 $0x1BF5;
	[smem:$0x3FB8] =	sst s0  }
0x18: {  	s0 =	sld [smem:$0x3F9B];
	_ =	swait.ge [sflag:s4], $0x0  }
0x19: {  	s7 =	sld [smem:$0x3F9C]  }
0x1a: {  	s8 =	sadd.s32 $0xFFFFE003, lr  }
0x1b: {  	s9 =	sadd.s32 $0xFFFFFEF7, lr;
	s5 =	simm.s32 $0xFFFFFFFF;
	p2 =	slt.u32 s8, $0xFFFFF086  }
0x1c: {  	p1 =	slt.u32 s9, $0xF7A;
	s5 =	simm.s32 @!p2 $0x0  }
0x1d: {  	s5 =	simm.s32 @p1 $0x1;
	p0 =	seq.s32 s7, s2  }
0x1e: {  	s7 =	smul.u32 @!p0 $0xF7A, s2;
	p2 =	seq.s32 @!p0 s5, $0x0  }
0x1f: {  	s9 =	smul.u32 $0xF7A, s1;
	s8 =	simm.s32 @!p0 $0x1BF5;
	p2 =	por !p2, p0  }
0x20: {  	[sflag:s8] =	ssyncset.s32 @!p0 $0xFFFFF086;
	s6 =	sadd.s32 @!p0 s3, s7;
	s7 =	simm.s32 @!p0 $0x108  }
0x21: {  	s3 =	sadd.s32 s3, s9;
	s6 =	sadd.s32 @!p0 $0x88, s6;
	s7 =	simm.s32 @p2 $0x1082  }
0x22: {  	[simem:s7], [sflag:s8] =	dma.local @!p0 [hbm:s6], $0xF7A  }
0x23: {  	s9 =	sor.u32 $0xD0000000, s2;
	s6 =	simm.s32 $0x108;
	_ =	swait.ge @!p0 [sflag:s8], $0x0  }
0x24: {  	s3 =	sadd.s32 $0x88, s3;
	s6 =	simm.s32 @!p1 $0x1082;
	[sflag:s4] =	ssyncset.s32 $0xFFFFF086  }
0x25: {  	[simem:s6], [sflag:s4] =	dma.local [hbm:s3], $0xF7A  }
0x26: {  	[smem:$0x3F9C] =	sst s1;
	(tag) =	ssettag s2;
	_ =	strace s9  }
0x27: {  	s1 =	sld [smem:$0x3FAC]  }
0x28: {  	s2 =	sld [smem:$0x3FAD]  }
0x29: {  	s4 =	sld [smem:$0x3FAF]  }
0x2a: {  	p0 =	seq.s32 s5, $0x0;
	s5 =	sld [smem:$0x3FB0]  }
0x2b: {  	s6 =	sld [smem:$0x3FB1]  }
0x2c: {  	s7 =	sld [smem:$0x3FB2]  }
0x2d: {  	s3 =	simm.s32 $0x108;
	s8 =	sld [smem:$0x3FB3]  }
0x2e: {  	s3 =	simm.s32 @!p0 $0x1082;
	s9 =	sld [smem:$0x3FB4]  }
0x2f: {  	lr =	sadd.s32 s0, s3;
	s0 =	sld [smem:$0x3FAB]  }
0x30: {  	s3 =	sld [smem:$0x3FAE]  }
0x31: {  	[smem:$0x3FB7] =	sst s10  }
0x32: {  	s10 =	sld [smem:$0x3FB5];
	_ =	sdelay $0x3  }
0x33: {  	p0 =	seq.s32 s10, $0x1;
	s10 =	sld [smem:$0x3FB7];
	_ =	sdelay $0x3  }
0x34: {  	[smem:$0x3FB7] =	sst s10  }
0x35: {  	s10 =	sld [smem:$0x3FB6];
	_ =	sdelay $0x3  }
0x36: {  	p1 =	seq.s32 s10, $0x1;
	s10 =	sld [smem:$0x3FB7];
	_ =	sdelay $0x3  }
0x37: {  	[smem:$0x3FB7] =	sst s10  }
0x38: {  	s10 =	sld [smem:$0x3FB8]  }
0x39: {  	_ = 	snop;
	(pc) =	sbr.ind lr, $3  }
0x3a: {  	_ = 	snop  }
0x3b: {  	_ = 	snop  }
0x3c: {  	p2 =	seq.s32 s10, $0x1;
	s10 =	sld [smem:$0x3FB7]  }
0x3d: {  	_ =	shalt  }
0x3e: {  	_ =	shalt  }
0x3f: {  	_ =	shalt  }
0x40: {  	_ =	shalt  }
0x41: {  	_ =	shalt  }
0x42: {  	_ =	shalt  }
0x43: {  	_ =	shalt  }
0x44: {  	_ =	shalt  }
0x45: {  	_ =	shalt  }
0x46: {  	_ =	shalt  }
0x47: {  	_ =	shalt  }
0x48: {  	_ =	shalt  }
0x49: {  	_ =	shalt  }
0x4a: {  	_ =	shalt  }
0x4b: {  	_ =	shalt  }
0x4c: {  	_ =	shalt  }
0x4d: {  	_ =	shalt  }
0x4e: {  	_ =	shalt  }
0x4f: {  	_ =	shalt  }
0x50: {  	_ =	shalt  }
0x51: {  	_ =	shalt  }
0x52: {  	_ =	shalt  }
0x53: {  	_ =	shalt  }
0x54: {  	_ =	shalt  }
0x55: {  	_ =	shalt  }
0x56: {  	_ =	shalt  }
0x57: {  	_ =	shalt  }
0x58: {  	_ =	shalt  }
0x59: {  	_ =	shalt  }
0x5a: {  	_ =	shalt  }
0x5b: {  	_ =	shalt  }
0x5c: {  	_ =	shalt  }
0x5d: {  	_ =	shalt  }
0x5e: {  	_ =	shalt  }
0x5f: {  	_ =	shalt  }
0x60: {  	_ =	shalt  }
0x61: {  	_ =	shalt  }
0x62: {  	_ =	shalt  }
0x63: {  	_ =	shalt  }
0x64: {  	_ =	shalt  }
0x65: {  	_ =	shalt  }
0x66: {  	_ =	shalt  }
0x67: {  	_ =	shalt  }
0x68: {  	_ =	shalt  }
0x69: {  	_ =	shalt  }
0x6a: {  	_ =	shalt  }
0x6b: {  	_ =	shalt  }
0x6c: {  	_ =	shalt  }
0x6d: {  	_ =	shalt  }
0x6e: {  	_ =	shalt  }
0x6f: {  	_ =	shalt  }
0x70: {  	_ =	shalt  }
0x71: {  	_ =	shalt  }
0x72: {  	_ =	shalt  }
0x73: {  	_ =	shalt  }
0x74: {  	_ =	shalt  }
0x75: {  	_ =	shalt  }
0x76: {  	_ =	shalt  }
0x77: {  	_ =	shalt  }
0x78: {  	_ =	shalt  }
0x79: {  	_ =	shalt  }
0x7a: {  	_ =	shalt  }
0x7b: {  	_ =	shalt  }
0x7c: {  	_ =	shalt  }
0x7d: {  	_ =	shalt  }
0x7e: {  	_ =	shalt  }
0x7f: {  	_ =	shalt  }
0x80: {  	_ =	shalt  }
0x81: {  	_ =	shalt  }
0x82: {  	_ =	shalt  }
0x83: {  	_ =	shalt  }
0x84: {  	_ =	shalt  }
0x85: {  	_ =	shalt  }
0x86: {  	_ =	shalt  }
0x87: {  	_ =	shalt  }
.Lfunc_end0:
.L_simem_size_0:
called_computation_lowered:
.L_overlay_start_0:
0x88: {  	s2 =	sld [smem:$0x3FD9]  }
0x89: {  	s3 =	sld [smem:$0x3FFE];
	_ =	sdelay $0x1  }
0x8a: {  	s1 =	srdreg.scid  }
0x8b: {  	s0 =	sand.u32 $0x1, s1  }
0x8c: {  	s17 =	sshll.u32 s0, $0xA;
	s2 =	sadd.s32 s3, s2  }
0x8d: {  	s2 =	sadd.s32 s2, s17  }
0x8e: {  	[smem:$0x3FC3] =	sst s2  }
0x8f: {  	_ = 	snop  }
0x90: {  	s2 =	sld [smem:$0x3FC9]  }
0x91: {  	s18 =	sld [smem:$0x3FD0];
	(tm) =	ssettm $0x1  }
0x92: {  	s4 =	sld [smem:$0x3FFB];
	_ =	sdelay $0x3  }
0x93: {  	_ =	strace s4  }
0x94: {  	s4 =	sld [smem:$0x3FFC];
	_ =	sdelay $0x3  }
0x95: {  	_ =	strace s4  }
0x96: {  	s4 =	sld [smem:$0x3FFD];
	_ =	sdelay $0x3  }
0x97: {  	_ =	strace s4  }
0x98: {  	_ =	strace $0x8FFFFFFF  }
0x99: {  	s19 =	sld [smem:$0x3FDB];
	_ =	sdelay $0x1  }
0x9a: {  	s5 =	simm.s32 $_scs_section_size  }
0x9b: {  	s6 =	simm.s32 $_size__tile_overlayer_lowered;
	s7 =	simm.s32 $_tile_overlayer_lowered  }
0x9c: {  	s22 =	simm.s32 $0x1BFF;
	s21 =	sshll.u32 s7, $0x1;
	s4 =	sadd.s32 s5, s19  }
0x9d: {  	s8 =	simm.s32 $0x0;
	s20 =	sshll.u32 s6, $0x1;
	s6 =	sadd.s32 s21, s4  }
0x9e: {  	[timem:s8], [sflag:s22] =	dma.local [hbm:s6], s20  }
0x9f: {  	_ =	swait.ge [sflag:s22], s20  }
0xa0: {  	s5 =	ssub.s32 $0x0, s20;
	[sflag:s22] =	ssyncset.done $0x0  }
0xa1: {  	[sflag:s22] =	ssyncadd.s32 s5;
	_ =	sdelay $0x1  }
0xa2: {  	s23 =	simm.s32 $0x1B8B  }
0xa3: {  	_ =	swait.ge [sflag:s23], $0x1  }
0xa4: {  	[sflag:s23] =	ssyncset.done $0x0  }
0xa5: {  	s25 =	simm.s32 $0x1B8E;
	s24 =	sld [smem:$0x3FFE];
	[sflag:s23] =	ssyncadd.s32 $0xFFFFFFFF  }
0xa6: {  	s26 =	simm.s32 $execute0_lowered;
	[smem:$0x3FD2] =	sst s25  }
0xa7: {  	s6 =	sshll.u32 s26, $0x1;
	_ =	strace $0x80000046;
	[dreg:$0x1] =	wrdreg $0xFFFFFFFF  }
0xa8: {  	s28 =	simm.s32 $_size_execute0_lowered;
	s4 =	sadd.s32 s4, s6;
	[dreg:$0x0] =	wrdreg $0x0  }
0xa9: {  	s6 =	sshll.u32 s28, $0x1;
	[dreg:$0x2] =	wrdreg s4  }
0xaa: {  	[dreg:$0x3] =	wrdreg s6  }
0xab: {  	[dreg:$0x4] =	wrdreg $0xC0  }
0xac: {  	_ =	task [dreg:s8], $0x5FFFF  }
0xad: {  	[dreg:$0x1] =	wrdreg $0xFFFFFFFF  }
0xae: {  	[dreg:$0x0] =	wrdreg $0x60  }
0xaf: {  	[dreg:$0x2] =	wrdreg s18  }
0xb0: {  	[dreg:$0x3] =	wrdreg s24  }
0xb1: {  	[dreg:$0x4] =	wrdreg s2  }
0xb2: {  	[dreg:$0x5] =	wrdreg $0x162000  }
0xb3: {  	[dreg:$0x6] =	wrdreg $0x9  }
0xb4: {  	_ =	task.clear_ibuf [dreg:s8], $0x7FFFF;
	_ =	strace $0x90000046  }
0xb5: {  	s29 =	simm.s32 $0x9;
	_ =	strace $0x80000048  }
0xb6: {  	_ =	swait.ge [sflag:s29], $0x1  }
0xb7: {  	[sflag:s29] =	ssyncadd.s32 $0xFFFFFFFF  }
0xb8: {  	_ =	strace $0x90000048  }
0xb9: {  	_ =	sfence  }
0xba: {  	s30 =	sld [smem:$0x0];
	_ =	sdelay $0x2  }
0xbb: {  	s31 =	sshll.u32 s1, $0xD;
	s1 =	sshrl.u32 s1, $0x2  }
0xbc: {  	s3 =	sand.u32 $0x4000, s31;
	s1 =	sadd.s32 s1, s30  }
0xbd: {  	s0 =	sor.u32 s3, s0;
	s1 =	sshll.u32 s1, $0x11  }
0xbe: {  	s0 =	sor.u32 s1, s0  }
0xbf: {  	s0 =	sadd.s32 $0x8F2B, s0  }
0xc0: {  	[sflag:s0] =	ssyncadd.remote.s32 $0x1  }
0xc1: {  	_ =	sfence.sel $0xFFFF  }
0xc2: {  	[dreg:$0x0] =	wrdreg $0xFFFFFFFF;
	(pc) =	sbr.abs _section_cstart, $3  }
0xc3: {  	[dreg:$0x1] =	wrdreg $0xFFFFFFFF  }
0xc4: {  	_ =	task.clear_ibuf [dreg:s8], $0x2FFFF;
	_ =	strace $0x9FFFFFFF  }
0xc5: {  	(tm) =	ssettm $0x7FFFFFFF  }
tec
execute0_lowered:
.L_overlay_start_1:
0x0: {  	(tag) =	ssettag $0x1  }
0x1: {  	s0 =	rddreg [dreg:$0x0]  }
0x2: {  	s1 =	rddreg [dreg:$0x1]  }
0x3: {  	s2 =	rddreg [dreg:$0x2]  }
0x4: {  	s3 =	rddreg [dreg:$0x3]  }
0x5: {  	s11 =	stileid.u32;
	s6 =	srdreg.scid  }
0x6: {  	s4 =	simm.s32 $0x0;
	s14 =	simm.s32 $0x80;
	s15 =	simm.s32 $0xA200  }
0x7: {  	s16 =	simm.s32 $0xC200;
	s18 =	simm.s32 $0xE200;
	s20 =	simm.s32 $0x10200  }
0x8: {  	s22 =	simm.s32 $0x12200;
	s28 =	simm.s32 $0x3;
	s29 =	simm.s32 $0x4  }
0x9: {  	s30 =	simm.s32 $0x5;
	s31 =	simm.s32 $0x6;
	s13 =	simm.s32 $0x9  }
0xa: {  	s17 =	simm.s32 $0xA;
	s19 =	simm.s32 $0xB;
	s5 =	smul.u32 $0x5100, s11  }
0xb: {  	s21 =	simm.s32 $0xC;
	s6 =	sand.u32 $0x1, s6;
	s7 =	smul.u32 $0x9E00, s11  }
0xc: {  	[smem:$0x7FF] =	sst s4;
	s12 =	sadd.s32 $0xAC00, s1;
	s8 =	smul.u32 $0x9E000, s6  }
0xd: {  	s25 =	sshll.u32 s11, $0x6;
	_ =	strace $0x80000047;
	s10 =	smul.u32 $0x51000, s6  }
0xe: {  	[dreg:$0x5] =	wrdreg s12;
	s6 =	ssub.s32 $0x2, s6;
	s9 =	sshrl.u32 s5, $0x3  }
0xf: {  	s12 =	simm.s32 $0xD;
	s23 =	sshrl.u32 s6, $0x1;
	s9 =	sadd.s32 s9, s1  }
0x10: {  	s8 =	sadd.s32 s7, s8;
	s5 =	sadd.s32 s5, s10;
	s24 =	ssub.s32 s6, s23  }
0x11: {  	s7 =	sadd.s32 s7, s3;
	s6 =	sor.u32 $0x1C0D, s25;
	s25 =	simm.s32 $0x1  }
0x12: {  	s23 =	simm.s32 $0x0;
	s8 =	sshrl.u32 s8, $0x3;
	s5 =	sshrl.u32 s5, $0x3  }
0x13: {  	s26 =	sadd.s32 $0xA00, s9;
	s10 =	smax.u32 s24, $0x1;
	s11 =	sshrl.u32 s7, $0x3  }
0x14: {  	s24 =	simm.s32 $0x14200;
	s0 =	sadd.s32 s0, s5;
	[dreg:$0x7] =	wrdreg s26  }
0x15: {  	s1 =	sadd.s32 s8, s1;
	s26 =	simm.s32 $0x2;
	[dreg:$0x6] =	wrdreg s0  }
0x16: {  	s9 =	sadd.s32 $0xC000, s1;
	s0 =	simm.s32 $0x7;
	s1 =	simm.s32 $0x8  }
.LBB2_1:
0x17: {  	s5 =	rddreg [dreg:$0x5]  }
0x18: {  	[spmem:s11], [sflag:s6] =	dma.local [hbm:s5], $0x13C0  }
0x19: {  	_ =	swait.ge [sflag:s12], $0x13C0  }
0x1a: {  	[sflag:s12] =	ssyncset.done $0x0  }
0x1b: {  	s7 =	rddreg [dreg:$0x6];
	[sflag:s12] =	ssyncadd.s32 $0xFFFFEC40  }
0x1c: {  	[tilespmem:s4], [sflag:$0xD] =	stream.linear.gather [hbm4b:s7+s4], $0x5100, $0x38;
	v63 =	vld [tilespmem:$0x0]  }
0x1d: {  	_ =	swait.ge [sflag:s12], $0x5100  }
0x1e: {  	[sflag:s12] =	ssyncset.done $0x0  }
0x1f: {  	s7 =	simm.s32 $0x5100;
	s8 =	rddreg [dreg:$0x7];
	[sflag:s12] =	ssyncadd.s32 $0xFFFFAF00  }
0x20: {  	[tilespmem:s7], [sflag:$0xD] =	stream.linear.gather [hbm4b:s8+s4], $0x5100, $0x38;
	v63 =	vld [tilespmem:$0x0]  }
0x21: {  	_ =	swait.ge [sflag:s12], $0x5100  }
0x22: {  	[sflag:s12] =	ssyncset.done $0x0  }
0x23: {  	[sflag:s12] =	ssyncadd.s32 $0xFFFFAF00  }
0x24: {  	[bflag:$0x0] =	sbarrier.arrive $0xFFFF  }
0x25: {  	[tilespmem:s15], [sflag:$0x1] =	stream.indirect.gather [hbm4b:s2+s14], $0x40, s4, s14, $0xb8;
	v63 =	vld [tilespmem:$0x0]  }
0x26: {  	_ = 	snop  }
0x27: {  	[tilespmem:s16], [sflag:$0x2] =	stream.indirect.gather [hbm4b:s2+s14], $0x40, s14, s14, $0xb8;
	v63 =	vld [tilespmem:$0x0]  }
0x28: {  	s8 =	simm.s32 $0x100  }
0x29: {  	[tilespmem:s18], [sflag:$0x3] =	stream.indirect.gather [hbm4b:s2+s14], $0x40, s8, s14, $0xb8;
	v63 =	vld [tilespmem:$0x0]  }
0x2a: {  	s7 =	simm.s32 $0x180  }
0x2b: {  	[tilespmem:s20], [sflag:$0x4] =	stream.indirect.gather [hbm4b:s2+s14], $0x40, s7, s14, $0xb8;
	v63 =	vld [tilespmem:$0x0]  }
0x2c: {  	s8 =	simm.s32 $0x200  }
0x2d: {  	[tilespmem:s22], [sflag:$0x5] =	stream.indirect.gather [hbm4b:s2+s14], $0x40, s8, s14, $0xb8;
	v63 =	vld [tilespmem:$0x0]  }
0x2e: {  	s7 =	simm.s32 $0x280  }
0x2f: {  	[tilespmem:s24], [sflag:$0x6] =	stream.indirect.gather [hbm4b:s2+s14], $0x40, s7, s14, $0xb8;
	v63 =	vld [tilespmem:$0x0]  }
0x30: {  	_ =	swait.ge [sflag:s25], $0x2000  }
0x31: {  	[sflag:s25] =	ssyncset.done $0x0  }
0x32: {  	s8 =	simm.s32 $0x5100;
	[sflag:s25] =	ssyncadd.s32 $0xFFFFE000  }
0x33: {  	[spmem:s3] =	stream.indirect.scatter.add.f32 [tilespmem:s15], [sflag:$0x7], $0x40, s8, s14, $0xb8;
	v63 =	vld [tilespmem:$0x0]  }
0x34: {  	_ =	swait.ge [sflag:s26], $0x2000  }
0x35: {  	[sflag:s26] =	ssyncset.done $0x0  }
0x36: {  	s7 =	simm.s32 $0x5180;
	[sflag:s26] =	ssyncadd.s32 $0xFFFFE000  }
0x37: {  	[spmem:s3] =	stream.indirect.scatter.add.f32 [tilespmem:s16], [sflag:$0x8], $0x40, s7, s14, $0xb8;
	v63 =	vld [tilespmem:$0x0]  }
0x38: {  	_ =	swait.ge [sflag:s28], $0x2000  }
0x39: {  	[sflag:s28] =	ssyncset.done $0x0  }
0x3a: {  	s8 =	simm.s32 $0x5200;
	[sflag:s28] =	ssyncadd.s32 $0xFFFFE000  }
0x3b: {  	[spmem:s3] =	stream.indirect.scatter.add.f32 [tilespmem:s18], [sflag:$0x9], $0x40, s8, s14, $0xb8;
	v63 =	vld [tilespmem:$0x0]  }
0x3c: {  	_ =	swait.ge [sflag:s29], $0x2000  }
0x3d: {  	[sflag:s29] =	ssyncset.done $0x0  }
0x3e: {  	s7 =	simm.s32 $0x5280;
	[sflag:s29] =	ssyncadd.s32 $0xFFFFE000  }
0x3f: {  	[spmem:s3] =	stream.indirect.scatter.add.f32 [tilespmem:s20], [sflag:$0xA], $0x40, s7, s14, $0xb8;
	v63 =	vld [tilespmem:$0x0]  }
0x40: {  	_ =	swait.ge [sflag:s30], $0x2000  }
0x41: {  	[sflag:s30] =	ssyncset.done $0x0  }
0x42: {  	s8 =	simm.s32 $0x5300;
	[sflag:s30] =	ssyncadd.s32 $0xFFFFE000  }
0x43: {  	[spmem:s3] =	stream.indirect.scatter.add.f32 [tilespmem:s22], [sflag:$0xB], $0x40, s8, s14, $0xb8;
	v63 =	vld [tilespmem:$0x0]  }
0x44: {  	_ =	swait.ge [sflag:s31], $0x2000  }
0x45: {  	[sflag:s31] =	ssyncset.done $0x0  }
0x46: {  	s7 =	simm.s32 $0x5380;
	[sflag:s31] =	ssyncadd.s32 $0xFFFFE000  }
0x47: {  	[spmem:s3] =	stream.indirect.scatter.add.f32 [tilespmem:s24], [sflag:$0xC], $0x40, s7, s14, $0xb8;
	v63 =	vld [tilespmem:$0x0]  }
0x48: {  	_ =	swait.ge [sflag:s0], $0x2000  }
0x49: {  	[sflag:s0] =	ssyncset.done $0x0  }
0x4a: {  	s8 =	simm.s32 $0x300;
	[sflag:s0] =	ssyncadd.s32 $0xFFFFE000  }
0x4b: {  	[tilespmem:s15], [sflag:$0x1] =	stream.indirect.gather [hbm4b:s2+s14], $0x40, s8, s14, $0xb8;
	v63 =	vld [tilespmem:$0x0]  }
0x4c: {  	_ =	swait.ge [sflag:s1], $0x2000  }
0x4d: {  	[sflag:s1] =	ssyncset.done $0x0  }
0x4e: {  	s7 =	simm.s32 $0x380;
	[sflag:s1] =	ssyncadd.s32 $0xFFFFE000  }
0x4f: {  	[tilespmem:s16], [sflag:$0x2] =	stream.indirect.gather [hbm4b:s2+s14], $0x40, s7, s14, $0xb8;
	v63 =	vld [tilespmem:$0x0]  }
0x50: {  	_ =	swait.ge [sflag:s13], $0x2000  }
0x51: {  	[sflag:s13] =	ssyncset.done $0x0  }
0x52: {  	s8 =	simm.s32 $0x400;
	[sflag:s13] =	ssyncadd.s32 $0xFFFFE000  }
0x53: {  	[tilespmem:s18], [sflag:$0x3] =	stream.indirect.gather [hbm4b:s2+s14], $0x40, s8, s14, $0xb8;
	v63 =	vld [tilespmem:$0x0]  }
0x54: {  	_ =	swait.ge [sflag:s17], $0x2000  }
0x55: {  	[sflag:s17] =	ssyncset.done $0x0  }
0x56: {  	s7 =	simm.s32 $0x480;
	[sflag:s17] =	ssyncadd.s32 $0xFFFFE000  }
0x57: {  	[tilespmem:s20], [sflag:$0x4] =	stream.indirect.gather [hbm4b:s2+s14], $0x40, s7, s14, $0xb8;
	v63 =	vld [tilespmem:$0x0]  }
0x58: {  	_ =	swait.ge [sflag:s19], $0x2000  }
0x59: {  	[sflag:s19] =	ssyncset.done $0x0  }
0x5a: {  	s8 =	simm.s32 $0x500;
	[sflag:s19] =	ssyncadd.s32 $0xFFFFE000  }
0x5b: {  	[tilespmem:s22], [sflag:$0x5] =	stream.indirect.gather [hbm4b:s2+s14], $0x40, s8, s14, $0xb8;
	v63 =	vld [tilespmem:$0x0]  }
0x5c: {  	_ =	swait.ge [sflag:s21], $0x2000  }
0x5d: {  	[sflag:s21] =	ssyncset.done $0x0  }
0x5e: {  	s5 =	simm.s32 $0xC00;
	s7 =	simm.s32 $0x580;
	[sflag:s21] =	ssyncadd.s32 $0xFFFFE000  }
.LBB2_2:
0x5f: {  	[tilespmem:s24], [sflag:$0x6] =	stream.indirect.gather [hbm4b:s2+s14], $0x40, s7, s14, $0xb8;
	v63 =	vld [tilespmem:$0x0]  }
0x60: {  	s7 =	smov.u32 s5  }
0x61: {  	p0 =	sne.s32 s5, $0x12C00;
	s5 =	sadd.s32 $0xC00, s5;
	_ =	swait.ge [sflag:s25], $0x2000  }
0x62: {  	s7 =	sshra.s32 s7, $0x2;
	[sflag:s25] =	ssyncset.done $0x0  }
0x63: {  	s8 =	sadd.s32 $0x5100, s7;
	[sflag:s25] =	ssyncadd.s32 $0xFFFFE000  }
0x64: {  	[spmem:s3] =	stream.indirect.scatter.add.f32 [tilespmem:s15], [sflag:$0x7], $0x40, s8, s14, $0xb8;
	v63 =	vld [tilespmem:$0x0]  }
0x65: {  	_ =	swait.ge [sflag:s26], $0x2000  }
0x66: {  	[sflag:s26] =	ssyncset.done $0x0  }
0x67: {  	s8 =	sadd.s32 $0x5180, s7;
	[sflag:s26] =	ssyncadd.s32 $0xFFFFE000  }
0x68: {  	[spmem:s3] =	stream.indirect.scatter.add.f32 [tilespmem:s16], [sflag:$0x8], $0x40, s8, s14, $0xb8;
	v63 =	vld [tilespmem:$0x0]  }
0x69: {  	_ =	swait.ge [sflag:s28], $0x2000  }
0x6a: {  	[sflag:s28] =	ssyncset.done $0x0  }
0x6b: {  	s8 =	sadd.s32 $0x5200, s7;
	[sflag:s28] =	ssyncadd.s32 $0xFFFFE000  }
0x6c: {  	[spmem:s3] =	stream.indirect.scatter.add.f32 [tilespmem:s18], [sflag:$0x9], $0x40, s8, s14, $0xb8;
	v63 =	vld [tilespmem:$0x0]  }
0x6d: {  	_ =	swait.ge [sflag:s29], $0x2000  }
0x6e: {  	[sflag:s29] =	ssyncset.done $0x0  }
0x6f: {  	s8 =	sadd.s32 $0x5280, s7;
	[sflag:s29] =	ssyncadd.s32 $0xFFFFE000  }
0x70: {  	[spmem:s3] =	stream.indirect.scatter.add.f32 [tilespmem:s20], [sflag:$0xA], $0x40, s8, s14, $0xb8;
	v63 =	vld [tilespmem:$0x0]  }
0x71: {  	_ =	swait.ge [sflag:s30], $0x2000  }
0x72: {  	[sflag:s30] =	ssyncset.done $0x0  }
0x73: {  	s8 =	sadd.s32 $0x5300, s7;
	[sflag:s30] =	ssyncadd.s32 $0xFFFFE000  }
0x74: {  	[spmem:s3] =	stream.indirect.scatter.add.f32 [tilespmem:s22], [sflag:$0xB], $0x40, s8, s14, $0xb8;
	v63 =	vld [tilespmem:$0x0]  }
0x75: {  	_ =	swait.ge [sflag:s31], $0x2000  }
0x76: {  	[sflag:s31] =	ssyncset.done $0x0  }
0x77: {  	s8 =	sadd.s32 $0x5380, s7;
	[sflag:s31] =	ssyncadd.s32 $0xFFFFE000  }
0x78: {  	[spmem:s3] =	stream.indirect.scatter.add.f32 [tilespmem:s24], [sflag:$0xC], $0x40, s8, s14, $0xb8;
	v63 =	vld [tilespmem:$0x0]  }
0x79: {  	_ =	swait.ge [sflag:s0], $0x2000  }
0x7a: {  	[sflag:s0] =	ssyncset.done $0x0  }
0x7b: {  	s8 =	sadd.s32 $0x300, s7;
	[sflag:s0] =	ssyncadd.s32 $0xFFFFE000  }
0x7c: {  	[tilespmem:s15], [sflag:$0x1] =	stream.indirect.gather [hbm4b:s2+s14], $0x40, s8, s14, $0xb8;
	v63 =	vld [tilespmem:$0x0]  }
0x7d: {  	_ =	swait.ge [sflag:s1], $0x2000  }
0x7e: {  	[sflag:s1] =	ssyncset.done $0x0  }
0x7f: {  	s8 =	sadd.s32 $0x380, s7;
	[sflag:s1] =	ssyncadd.s32 $0xFFFFE000  }
0x80: {  	[tilespmem:s16], [sflag:$0x2] =	stream.indirect.gather [hbm4b:s2+s14], $0x40, s8, s14, $0xb8;
	v63 =	vld [tilespmem:$0x0]  }
0x81: {  	_ =	swait.ge [sflag:s13], $0x2000  }
0x82: {  	[sflag:s13] =	ssyncset.done $0x0  }
0x83: {  	s8 =	sadd.s32 $0x400, s7;
	[sflag:s13] =	ssyncadd.s32 $0xFFFFE000  }
0x84: {  	[tilespmem:s18], [sflag:$0x3] =	stream.indirect.gather [hbm4b:s2+s14], $0x40, s8, s14, $0xb8;
	v63 =	vld [tilespmem:$0x0]  }
0x85: {  	_ =	swait.ge [sflag:s17], $0x2000  }
0x86: {  	[sflag:s17] =	ssyncset.done $0x0  }
0x87: {  	s8 =	sadd.s32 $0x480, s7;
	[sflag:s17] =	ssyncadd.s32 $0xFFFFE000  }
0x88: {  	[tilespmem:s20], [sflag:$0x4] =	stream.indirect.gather [hbm4b:s2+s14], $0x40, s8, s14, $0xb8;
	v63 =	vld [tilespmem:$0x0]  }
0x89: {  	_ =	swait.ge [sflag:s19], $0x2000  }
0x8a: {  	[sflag:s19] =	ssyncset.done $0x0  }
.Ltmp0:
0x8b: {  	s8 =	sadd.s32 $0x500, s7;
	[sflag:s19] =	ssyncadd.s32 $0xFFFFE000;
	(pc) =	sbr.rel @p0 .LBB2_2-.Ltmp0, $4  }
0x8c: {  	[tilespmem:s22], [sflag:$0x5] =	stream.indirect.gather [hbm4b:s2+s14], $0x40, s8, s14, $0xb8;
	v63 =	vld [tilespmem:$0x0]  }
0x8d: {  	_ =	swait.ge [sflag:s21], $0x2000  }
0x8e: {  	[sflag:s21] =	ssyncset.done $0x0  }
0x8f: {  	s7 =	sadd.s32 $0x580, s7;
	[sflag:s21] =	ssyncadd.s32 $0xFFFFE000  }
0x90: {  	[tilespmem:s24], [sflag:$0x6] =	stream.indirect.gather [hbm4b:s2+s14], $0x40, s7, s14, $0xb8;
	v63 =	vld [tilespmem:$0x0]  }
0x91: {  	_ =	swait.ge [sflag:s25], $0x2000  }
0x92: {  	[sflag:s25] =	ssyncset.done $0x0  }
0x93: {  	s5 =	simm.s32 $0x9F00;
	[sflag:s25] =	ssyncadd.s32 $0xFFFFE000  }
0x94: {  	[spmem:s3] =	stream.indirect.scatter.add.f32 [tilespmem:s15], [sflag:$0x7], $0x40, s5, s14, $0xb8;
	v63 =	vld [tilespmem:$0x0]  }
0x95: {  	_ =	swait.ge [sflag:s26], $0x2000  }
0x96: {  	[sflag:s26] =	ssyncset.done $0x0  }
0x97: {  	s8 =	simm.s32 $0x9F80;
	[sflag:s26] =	ssyncadd.s32 $0xFFFFE000  }
0x98: {  	[spmem:s3] =	stream.indirect.scatter.add.f32 [tilespmem:s16], [sflag:$0x8], $0x40, s8, s14, $0xb8;
	v63 =	vld [tilespmem:$0x0]  }
0x99: {  	_ =	swait.ge [sflag:s28], $0x2000  }
0x9a: {  	[sflag:s28] =	ssyncset.done $0x0  }
0x9b: {  	s7 =	simm.s32 $0xA000;
	[sflag:s28] =	ssyncadd.s32 $0xFFFFE000  }
0x9c: {  	[spmem:s3] =	stream.indirect.scatter.add.f32 [tilespmem:s18], [sflag:$0x9], $0x40, s7, s14, $0xb8;
	v63 =	vld [tilespmem:$0x0]  }
0x9d: {  	_ =	swait.ge [sflag:s29], $0x2000  }
0x9e: {  	[sflag:s29] =	ssyncset.done $0x0  }
0x9f: {  	s8 =	simm.s32 $0xA080;
	[sflag:s29] =	ssyncadd.s32 $0xFFFFE000  }
0xa0: {  	[spmem:s3] =	stream.indirect.scatter.add.f32 [tilespmem:s20], [sflag:$0xA], $0x40, s8, s14, $0xb8;
	v63 =	vld [tilespmem:$0x0]  }
0xa1: {  	_ =	swait.ge [sflag:s30], $0x2000  }
0xa2: {  	[sflag:s30] =	ssyncset.done $0x0  }
0xa3: {  	s7 =	simm.s32 $0xA100;
	[sflag:s30] =	ssyncadd.s32 $0xFFFFE000  }
0xa4: {  	[spmem:s3] =	stream.indirect.scatter.add.f32 [tilespmem:s22], [sflag:$0xB], $0x40, s7, s14, $0xb8;
	v63 =	vld [tilespmem:$0x0]  }
0xa5: {  	_ =	swait.ge [sflag:s31], $0x2000  }
0xa6: {  	[sflag:s31] =	ssyncset.done $0x0  }
0xa7: {  	s8 =	simm.s32 $0xA180;
	[sflag:s31] =	ssyncadd.s32 $0xFFFFE000  }
0xa8: {  	[spmem:s3] =	stream.indirect.scatter.add.f32 [tilespmem:s24], [sflag:$0xC], $0x40, s8, s14, $0xb8;
	v63 =	vld [tilespmem:$0x0]  }
0xa9: {  	_ =	swait.ge [sflag:s0], $0x2000  }
0xaa: {  	[sflag:s0] =	ssyncset.done $0x0  }
0xab: {  	[sflag:s0] =	ssyncadd.s32 $0xFFFFE000  }
0xac: {  	_ =	swait.ge [sflag:s1], $0x2000  }
0xad: {  	[sflag:s1] =	ssyncset.done $0x0  }
0xae: {  	[sflag:s1] =	ssyncadd.s32 $0xFFFFE000  }
0xaf: {  	_ =	swait.ge [sflag:s13], $0x2000  }
0xb0: {  	[sflag:s13] =	ssyncset.done $0x0  }
0xb1: {  	[sflag:s13] =	ssyncadd.s32 $0xFFFFE000  }
0xb2: {  	_ =	swait.ge [sflag:s17], $0x2000  }
0xb3: {  	[sflag:s17] =	ssyncset.done $0x0  }
0xb4: {  	[sflag:s17] =	ssyncadd.s32 $0xFFFFE000  }
0xb5: {  	_ =	swait.ge [sflag:s19], $0x2000  }
0xb6: {  	[sflag:s19] =	ssyncset.done $0x0  }
0xb7: {  	[sflag:s19] =	ssyncadd.s32 $0xFFFFE000  }
0xb8: {  	_ =	swait.ge [sflag:s21], $0x2000  }
0xb9: {  	s23 =	sadd.s32 $0x1, s23;
	[sflag:s21] =	ssyncset.done $0x0  }
0xba: {  	p0 =	sne.s32 s23, s10;
	[sflag:s21] =	ssyncadd.s32 $0xFFFFE000  }
.Ltmp1:
0xbb: {  	[bflag:$0x0] =	sbarrier.arrive $0xFFFF;
	(pc) =	sbr.rel @p0 .LBB2_1-.Ltmp1, $4  }
0xbc: {  	[hbm:s9], [sflag:s6] =	dma.local [spmem:s11], $0x13C0  }
0xbd: {  	_ =	swait.ge [sflag:s12], $0x13C0  }
0xbe: {  	[sflag:s12] =	ssyncset.done $0x0  }
0xbf: {  	[sflag:s12] =	ssyncadd.s32 $0xFFFFEC40  }
0xc0: {  	_ =	sfence.sel $0x180000  }
0xc1: {  	[bflag:$0x0] =	sbarrier.arrive $0xFFFF  }
0xc2: {  	_ =	strace $0x90000047  }
0xc3: {  	s0 =	stileid.u32;
	[bflag:$0x2] =	sbarrier.arrive $0xFFFF  }
0xc4: {  	p0 =	sne.s32 s0, $0x0;
	s0 =	rddreg [dreg:$0x4]  }
0xc5: {  	s0 =	sadd.s32 @!p0 $0x100000, s0  }
0xc6: {  	[sflag:s0] =	ssyncadd.tile.s32 @!p0 $0x1;
	_ =	shalt  }
.Lfunc_end2:
_tile_overlayer_lowered:
.L_overlay_start_2:
0xc7: {  	(tag) =	ssettag $0x2  }
0xc8: {  	s0 =	rddreg [dreg:$0x0];
	s2 =	stileid.u32  }
0xc9: {  	s1 =	rddreg [dreg:$0x1];
	p0 =	sne.s32 s2, $0x0  }
0xca: {  	s3 =	rddreg [dreg:$0x2];
	[bflag:$0x3] =	sbarrier.arrive $0xFFFF;
	s2 =	simm.s32 @!p0 $0x1C0D  }
0xcb: {  	[timem:s3], [sflag:s2] =	dma.local @!p0 [hbm:s0], s1  }
0xcc: {  	s0 =	simm.s32 @!p0 $0xD  }
0xcd: {  	_ =	swait.ge @!p0 [sflag:s0], s1  }
0xce: {  	s1 =	ssub.s32 @!p0 $0x0, s1;
	[sflag:s0] =	ssyncset.done @!p0 $0x0  }
0xcf: {  	[sflag:s0] =	ssyncadd.s32 @!p0 s1  }
0xd0: {  	[bflag:$0x3] =	sbarrier.arrive $0xFFFF  }
0xd1: {  	_ =	shalt  }

</sc_bundles>
